<compile_context>
chip_gen: v7x
topology: tpu7x:2x2x1
jax: 0.10.2.dev20260603
libtpu: 0.0.44.dev20260713+nightly
codegen_flags: <defaults>
</compile_context>

<pallas_src>
import functools

import jax
import jax.numpy as jnp
from jax import lax
from jax.experimental import pallas as pl
from jax.experimental.pallas import tpu as pltpu
from jax.experimental.pallas import tpu_sc as plsc

B = 16384
D = 32
TROWS = 8
NUM_CORES = 2
NUM_SUBCORES = 16
NUM_WORKERS = NUM_CORES * NUM_SUBCORES
BPW = B // NUM_WORKERS
N_CHUNKS = 2
CROWS = BPW // N_CHUNKS
VEC = 16


def _sc_gather_rows(user, item, eu3, ei3):
    mesh = plsc.VectorSubcoreMesh(core_axis_name="c", subcore_axis_name="s")

    @functools.partial(
        pl.kernel,
        mesh=mesh,
        out_type=(
            jax.ShapeDtypeStruct((B, D), jnp.float32),
            jax.ShapeDtypeStruct((B, D), jnp.float32),
        ),
        scratch_types=[
            pltpu.VMEM((BPW,), jnp.int32),
            pltpu.VMEM((BPW,), jnp.int32),
            pltpu.VMEM((CROWS, D), jnp.float32),
            pltpu.VMEM((CROWS, D), jnp.float32),
            pltpu.SemaphoreType.DMA,
            pltpu.SemaphoreType.DMA,
        ],
    )
    def sc_kernel(user_hbm, item_hbm, eu_hbm, ei_hbm,
                  u_out, it_out,
                  idx_u_v, idx_i_v, u_v, it_v,
                  sem_u, sem_i):
        wid = lax.axis_index("s") * NUM_CORES + lax.axis_index("c")
        base = wid * BPW
        pltpu.sync_copy(user_hbm.at[pl.ds(base, BPW)], idx_u_v)
        pltpu.sync_copy(item_hbm.at[pl.ds(base, BPW)], idx_i_v)

        @pl.loop(0, N_CHUNKS)
        def _(k):
            loff = k * CROWS

            @pl.loop(0, CROWS // VEC)
            def _(c):
                vu = idx_u_v[pl.ds(loff + c * VEC, VEC)]
                vi = idx_i_v[pl.ds(loff + c * VEC, VEC)]
                for e in range(VEC):
                    iu = vu[e]
                    ii = vi[e]
                    j = c * VEC + e
                    pltpu.make_async_copy(
                        eu_hbm.at[lax.shift_right_logical(iu, 3),
                                  lax.bitwise_and(iu, TROWS - 1)],
                        u_v.at[j], sem_u).start()
                    pltpu.make_async_copy(
                        ei_hbm.at[lax.shift_right_logical(ii, 3),
                                  lax.bitwise_and(ii, TROWS - 1)],
                        it_v.at[j], sem_i).start()

            pltpu.make_async_copy(
                eu_hbm.at[0], u_v, sem_u).wait()
            pltpu.make_async_copy(
                ei_hbm.at[0], it_v, sem_i).wait()

            pltpu.sync_copy(u_v, u_out.at[pl.ds(base + loff, CROWS)])
            pltpu.sync_copy(it_v, it_out.at[pl.ds(base + loff, CROWS)])

    return sc_kernel(user, item, eu3, ei3)


def _sc_gather_bias(user, item, user_bias, item_bias):
    mesh = plsc.VectorSubcoreMesh(core_axis_name="c", subcore_axis_name="s")

    @functools.partial(
        pl.kernel,
        mesh=mesh,
        compiler_params=pltpu.CompilerParams(use_tc_tiling_on_sc=False),
        out_type=(
            jax.ShapeDtypeStruct((B,), jnp.float32),
            jax.ShapeDtypeStruct((B,), jnp.float32),
        ),
        scratch_types=[
            pltpu.VMEM((BPW,), jnp.int32),
            pltpu.VMEM((BPW,), jnp.int32),
            pltpu.VMEM((BPW,), jnp.float32),
            pltpu.VMEM((BPW,), jnp.float32),
            pltpu.SemaphoreType.DMA,
        ],
    )
    def sc_kernel(user_hbm, item_hbm, ubt_hbm, ibt_hbm,
                  ub_out, ib_out,
                  idx_u_v, idx_i_v, ub_v, ib_v, sem):
        wid = lax.axis_index("s") * NUM_CORES + lax.axis_index("c")
        base = wid * BPW
        pltpu.sync_copy(user_hbm.at[pl.ds(base, BPW)], idx_u_v)
        pltpu.sync_copy(item_hbm.at[pl.ds(base, BPW)], idx_i_v)
        copies = [
            pltpu.async_copy(ubt_hbm.at[idx_u_v], ub_v, sem),
            pltpu.async_copy(ibt_hbm.at[idx_i_v], ib_v, sem),
        ]
        for c in copies:
            c.wait()
        pltpu.sync_copy(ub_v, ub_out.at[pl.ds(base, BPW)])
        pltpu.sync_copy(ib_v, ib_out.at[pl.ds(base, BPW)])

    return sc_kernel(user, item, user_bias, item_bias)


def _finish_body(avg_ref, u_ref, it_ref, ub_ref, ib_ref, pred_ref):
    s = jnp.sum(u_ref[...] * it_ref[...], axis=1, keepdims=True)
    pred_ref[...] = s + ub_ref[...] + ib_ref[...] + avg_ref[0, 0]


def _tc_finish(average, u, it, ub_c, ib_c):
    grid = 4
    rows = B // grid
    return pl.pallas_call(
        _finish_body,
        grid=(grid,),
        in_specs=[
            pl.BlockSpec((1, 1), lambda i: (0, 0)),
            pl.BlockSpec((rows, D), lambda i: (i, 0)),
            pl.BlockSpec((rows, D), lambda i: (i, 0)),
            pl.BlockSpec((rows, 1), lambda i: (i, 0)),
            pl.BlockSpec((rows, 1), lambda i: (i, 0)),
        ],
        out_specs=pl.BlockSpec((rows, 1), lambda i: (i, 0)),
        out_shape=jax.ShapeDtypeStruct((B, 1), jnp.float32),
    )(average.reshape(1, 1), u, it, ub_c, ib_c)


def kernel(user, item, average, embed_user, embed_item, user_bias, item_bias):
    n_user = embed_user.shape[0]
    n_item = embed_item.shape[0]
    eu3 = embed_user.reshape(n_user // TROWS, TROWS, D)
    ei3 = embed_item.reshape(n_item // TROWS, TROWS, D)
    u, it = _sc_gather_rows(user, item, eu3, ei3)
    ub, ib = _sc_gather_bias(user, item, user_bias, item_bias)
    predict = _tc_finish(average, u, it, ub.reshape(B, 1), ib.reshape(B, 1))
    return (predict.reshape(B), u, it)

# --- scband reference (transcript-rebuilt; emitter-appended) ---
"""Pipeline reference for scband-biased-mf-446676598938 (READ-ONLY COPY).

The authoritative reference and input builder live on the scoring server;
editing this copy changes nothing except your own understanding.
"""

import jax, jax.numpy as jnp
import numpy as np

B = 16384
U = 1000000
I = 1000000
D = 32


def setup_inputs(seed: int = 0) -> dict:
    key = jax.random.key(seed)
    k1, k2, k3, k4, k5 = jax.random.split(key, 5)
    user = jax.random.randint(k1, (B,), 0, U, dtype=jnp.int64 if jax.config.jax_enable_x64 else jnp.int32)
    item = jax.random.randint(k2, (B,), 0, I, dtype=jnp.int64 if jax.config.jax_enable_x64 else jnp.int32)
    average = jax.random.uniform(k3, (1,), dtype=jnp.float32)
    embed_user = jax.random.normal(k4, (U, D), dtype=jnp.float32) * 0.01
    embed_item = jax.random.normal(k5, (I, D), dtype=jnp.float32) * 0.01
    user_bias = jnp.zeros((U,), dtype=jnp.float32)
    item_bias = jnp.zeros((I,), dtype=jnp.float32)
    return {
        "user": user,
        "item": item,
        "average": average,
        "embed_user": embed_user,
        "embed_item": embed_item,
        "user_bias": user_bias,
        "item_bias": item_bias,
    }


def reference(user, item, average, embed_user, embed_item, user_bias, item_bias):
    # bias gathers
    ub = jnp.take(user_bias, user, axis=0)
    ib = jnp.take(item_bias, item, axis=0)
    # embedding gathers
    u = jnp.take(embed_user, user, axis=0)
    it = jnp.take(embed_item, item, axis=0)
    predict = jnp.sum(u * it, axis=1) + average + ub + ib
    return (predict, u, it)

if __name__ == "__main__":
    import jax
    _d = setup_inputs()
    print(jax.jit(kernel)(*tuple(_d.values())))

</pallas_src>

<mosaic_0001>
#map = affine_map<(d0, d1) -> (0)>
module attributes {stable_mosaic.version = 14 : i64} {
  func.func @sc_kernel(%arg0: i32, %arg1: i32, %arg2: memref<16384xi32, #tpu.memory_space<hbm>>, %arg3: memref<16384xi32, #tpu.memory_space<hbm>>, %arg4: memref<1000000xf32, #tpu.memory_space<hbm>>, %arg5: memref<1000000xf32, #tpu.memory_space<hbm>>, %arg6: memref<16384xf32, #tpu.memory_space<hbm>>, %arg7: memref<16384xf32, #tpu.memory_space<hbm>>, %arg8: memref<512xi32, #tpu.memory_space<vmem>>, %arg9: memref<512xi32, #tpu.memory_space<vmem>>, %arg10: memref<512xf32, #tpu.memory_space<vmem>>, %arg11: memref<512xf32, #tpu.memory_space<vmem>>, %arg12: memref<!tpu.dma_semaphore, #tpu.memory_space<semaphore_mem>>) attributes {dimension_semantics = [#tpu.dimension_semantics<core_parallel>, #tpu.dimension_semantics<subcore_parallel>], iteration_bounds = array<i64: 2, 16>, scalar_prefetch = 0 : i64, scratch_operands = 5 : i64, tpu.core_type = #tpu.core_type<sc_vector_subcore>, window_params = [{transform_indices = #map}, {transform_indices = #map}, {transform_indices = #map}, {transform_indices = #map}, {transform_indices = #map}, {transform_indices = #map}]} {
    %mul3A = arith.constant 2 : i32
    %mul3A_0 = arith.muli %arg1, %mul3A : i32
    %add3A = arith.addi %mul3A_0, %arg0 : i32
    %mul3A_1 = arith.constant 512 : i32
    %mul3A_2 = arith.muli %add3A, %mul3A_1 : i32
    "tpu.region"() ({
      %run_scoped3A = tpu.sem_alloc : memref<!tpu.dma_semaphore, #tpu.memory_space<semaphore_mem>>
      %dma_start3A_9 = tpu.memref_slice %arg2[%mul3A_2] : memref<16384xi32, #tpu.memory_space<hbm>> -> memref<512xi32, #tpu.memory_space<hbm>>
      %dma_start3A_10 = tpu.memref_slice %arg2[%mul3A_2] : memref<16384xi32, #tpu.memory_space<hbm>> -> memref<512xi32, #tpu.memory_space<hbm>>
      tpu.enqueue_dma source(%dma_start3A_10 : memref<512xi32, #tpu.memory_space<hbm>>) target(%arg8 : memref<512xi32, #tpu.memory_space<vmem>>) target_semaphore(%run_scoped3A : memref<!tpu.dma_semaphore, #tpu.memory_space<semaphore_mem>>)
      %dma_wait3A_11 = tpu.memref_slice %arg2[%mul3A_2] : memref<16384xi32, #tpu.memory_space<hbm>> -> memref<512xi32, #tpu.memory_space<hbm>>
      %dma_wait3A_12 = tpu.memref_slice %arg2[%mul3A_2] : memref<16384xi32, #tpu.memory_space<hbm>> -> memref<512xi32, #tpu.memory_space<hbm>>
      tpu.wait_dma2 semaphore(%run_scoped3A : memref<!tpu.dma_semaphore, #tpu.memory_space<semaphore_mem>>) src(%dma_wait3A_12 : memref<512xi32, #tpu.memory_space<hbm>>) dst(%arg8 : memref<512xi32, #tpu.memory_space<vmem>>)
      tpu.yield
    }) : () -> ()
    "tpu.region"() ({
      %run_scoped3A = tpu.sem_alloc : memref<!tpu.dma_semaphore, #tpu.memory_space<semaphore_mem>>
      %dma_start3A_9 = tpu.memref_slice %arg3[%mul3A_2] : memref<16384xi32, #tpu.memory_space<hbm>> -> memref<512xi32, #tpu.memory_space<hbm>>
      %dma_start3A_10 = tpu.memref_slice %arg3[%mul3A_2] : memref<16384xi32, #tpu.memory_space<hbm>> -> memref<512xi32, #tpu.memory_space<hbm>>
      tpu.enqueue_dma source(%dma_start3A_10 : memref<512xi32, #tpu.memory_space<hbm>>) target(%arg9 : memref<512xi32, #tpu.memory_space<vmem>>) target_semaphore(%run_scoped3A : memref<!tpu.dma_semaphore, #tpu.memory_space<semaphore_mem>>)
      %dma_wait3A_11 = tpu.memref_slice %arg3[%mul3A_2] : memref<16384xi32, #tpu.memory_space<hbm>> -> memref<512xi32, #tpu.memory_space<hbm>>
      %dma_wait3A_12 = tpu.memref_slice %arg3[%mul3A_2] : memref<16384xi32, #tpu.memory_space<hbm>> -> memref<512xi32, #tpu.memory_space<hbm>>
      tpu.wait_dma2 semaphore(%run_scoped3A : memref<!tpu.dma_semaphore, #tpu.memory_space<semaphore_mem>>) src(%dma_wait3A_12 : memref<512xi32, #tpu.memory_space<hbm>>) dst(%arg9 : memref<512xi32, #tpu.memory_space<vmem>>)
      tpu.yield
    }) : () -> ()
    %dma_start3A = arith.constant 0 : i32
    %dma_start3A_3 = tpu.memref_slice %arg4[%dma_start3A] : memref<1000000xf32, #tpu.memory_space<hbm>> -> memref<1000000xf32, #tpu.memory_space<hbm>>
    tpu.enqueue_indirect_dma source(%dma_start3A_3 : memref<1000000xf32, #tpu.memory_space<hbm>>) target(%arg10 : memref<512xf32, #tpu.memory_space<vmem>>) offsets(%arg8 : memref<512xi32, #tpu.memory_space<vmem>>) semaphore(%arg12 : memref<!tpu.dma_semaphore, #tpu.memory_space<semaphore_mem>>)
    %dma_start3A_4 = arith.constant 0 : i32
    %dma_start3A_5 = tpu.memref_slice %arg5[%dma_start3A_4] : memref<1000000xf32, #tpu.memory_space<hbm>> -> memref<1000000xf32, #tpu.memory_space<hbm>>
    tpu.enqueue_indirect_dma source(%dma_start3A_5 : memref<1000000xf32, #tpu.memory_space<hbm>>) target(%arg11 : memref<512xf32, #tpu.memory_space<vmem>>) offsets(%arg9 : memref<512xi32, #tpu.memory_space<vmem>>) semaphore(%arg12 : memref<!tpu.dma_semaphore, #tpu.memory_space<semaphore_mem>>)
    %dma_wait3A = arith.constant 0 : i32
    %dma_wait3A_6 = tpu.memref_slice %arg4[%dma_wait3A] : memref<1000000xf32, #tpu.memory_space<hbm>> -> memref<1000000xf32, #tpu.memory_space<hbm>>
    tpu.wait_indirect_dma semaphore(%arg12 : memref<!tpu.dma_semaphore, #tpu.memory_space<semaphore_mem>>) src(%dma_wait3A_6 : memref<1000000xf32, #tpu.memory_space<hbm>>) dst(%arg10 : memref<512xf32, #tpu.memory_space<vmem>>)
    %dma_wait3A_7 = arith.constant 0 : i32
    %dma_wait3A_8 = tpu.memref_slice %arg5[%dma_wait3A_7] : memref<1000000xf32, #tpu.memory_space<hbm>> -> memref<1000000xf32, #tpu.memory_space<hbm>>
    tpu.wait_indirect_dma semaphore(%arg12 : memref<!tpu.dma_semaphore, #tpu.memory_space<semaphore_mem>>) src(%dma_wait3A_8 : memref<1000000xf32, #tpu.memory_space<hbm>>) dst(%arg11 : memref<512xf32, #tpu.memory_space<vmem>>)
    "tpu.region"() ({
      %run_scoped3A = tpu.sem_alloc : memref<!tpu.dma_semaphore, #tpu.memory_space<semaphore_mem>>
      %dma_start3A_9 = tpu.memref_slice %arg6[%mul3A_2] : memref<16384xf32, #tpu.memory_space<hbm>> -> memref<512xf32, #tpu.memory_space<hbm>>
      %dma_start3A_10 = tpu.memref_slice %arg6[%mul3A_2] : memref<16384xf32, #tpu.memory_space<hbm>> -> memref<512xf32, #tpu.memory_space<hbm>>
      tpu.enqueue_dma source(%arg10 : memref<512xf32, #tpu.memory_space<vmem>>) target(%dma_start3A_10 : memref<512xf32, #tpu.memory_space<hbm>>) target_semaphore(%run_scoped3A : memref<!tpu.dma_semaphore, #tpu.memory_space<semaphore_mem>>)
      %dma_wait3A_11 = tpu.memref_slice %arg6[%mul3A_2] : memref<16384xf32, #tpu.memory_space<hbm>> -> memref<512xf32, #tpu.memory_space<hbm>>
      %dma_wait3A_12 = tpu.memref_slice %arg6[%mul3A_2] : memref<16384xf32, #tpu.memory_space<hbm>> -> memref<512xf32, #tpu.memory_space<hbm>>
      tpu.wait_dma2 semaphore(%run_scoped3A : memref<!tpu.dma_semaphore, #tpu.memory_space<semaphore_mem>>) src(%arg10 : memref<512xf32, #tpu.memory_space<vmem>>) dst(%dma_wait3A_12 : memref<512xf32, #tpu.memory_space<hbm>>)
      tpu.yield
    }) : () -> ()
    "tpu.region"() ({
      %run_scoped3A = tpu.sem_alloc : memref<!tpu.dma_semaphore, #tpu.memory_space<semaphore_mem>>
      %dma_start3A_9 = tpu.memref_slice %arg7[%mul3A_2] : memref<16384xf32, #tpu.memory_space<hbm>> -> memref<512xf32, #tpu.memory_space<hbm>>
      %dma_start3A_10 = tpu.memref_slice %arg7[%mul3A_2] : memref<16384xf32, #tpu.memory_space<hbm>> -> memref<512xf32, #tpu.memory_space<hbm>>
      tpu.enqueue_dma source(%arg11 : memref<512xf32, #tpu.memory_space<vmem>>) target(%dma_start3A_10 : memref<512xf32, #tpu.memory_space<hbm>>) target_semaphore(%run_scoped3A : memref<!tpu.dma_semaphore, #tpu.memory_space<semaphore_mem>>)
      %dma_wait3A_11 = tpu.memref_slice %arg7[%mul3A_2] : memref<16384xf32, #tpu.memory_space<hbm>> -> memref<512xf32, #tpu.memory_space<hbm>>
      %dma_wait3A_12 = tpu.memref_slice %arg7[%mul3A_2] : memref<16384xf32, #tpu.memory_space<hbm>> -> memref<512xf32, #tpu.memory_space<hbm>>
      tpu.wait_dma2 semaphore(%run_scoped3A : memref<!tpu.dma_semaphore, #tpu.memory_space<semaphore_mem>>) src(%arg11 : memref<512xf32, #tpu.memory_space<vmem>>) dst(%dma_wait3A_12 : memref<512xf32, #tpu.memory_space<hbm>>)
      tpu.yield
    }) : () -> ()
    return
  }
}

#map = affine_map<(d0, d1) -> (0)>
#map1 = affine_map<(d0, d1) -> (0, 0, 0)>
#map2 = affine_map<(d0, d1) -> (0, 0)>
module attributes {stable_mosaic.version = 14 : i64} {
  func.func @sc_kernel(%arg0: i32, %arg1: i32, %arg2: memref<16384xi32, #tpu.memory_space<hbm>>, %arg3: memref<16384xi32, #tpu.memory_space<hbm>>, %arg4: memref<125000x8x32xf32, #tpu.memory_space<hbm>>, %arg5: memref<125000x8x32xf32, #tpu.memory_space<hbm>>, %arg6: memref<16384x32xf32, #tpu.memory_space<hbm>>, %arg7: memref<16384x32xf32, #tpu.memory_space<hbm>>, %arg8: memref<512xi32, #tpu.memory_space<vmem>>, %arg9: memref<512xi32, #tpu.memory_space<vmem>>, %arg10: memref<256x32xf32, #tpu.memory_space<vmem>>, %arg11: memref<256x32xf32, #tpu.memory_space<vmem>>, %arg12: memref<!tpu.dma_semaphore, #tpu.memory_space<semaphore_mem>>, %arg13: memref<!tpu.dma_semaphore, #tpu.memory_space<semaphore_mem>>) attributes {dimension_semantics = [#tpu.dimension_semantics<core_parallel>, #tpu.dimension_semantics<subcore_parallel>], iteration_bounds = array<i64: 2, 16>, scalar_prefetch = 0 : i64, scratch_operands = 6 : i64, tpu.core_type = #tpu.core_type<sc_vector_subcore>, window_params = [{transform_indices = #map}, {transform_indices = #map}, {transform_indices = #map1}, {transform_indices = #map1}, {transform_indices = #map2}, {transform_indices = #map2}]} {
    %mul3A = arith.constant 2 : i32
    %mul3A_0 = arith.muli %arg1, %mul3A : i32
    %add3A = arith.addi %mul3A_0, %arg0 : i32
    %mul3A_1 = arith.constant 512 : i32
    %mul3A_2 = arith.muli %add3A, %mul3A_1 : i32
    "tpu.region"() ({
      %run_scoped3A = tpu.sem_alloc : memref<!tpu.dma_semaphore, #tpu.memory_space<semaphore_mem>>
      %dma_start3A = tpu.memref_slice %arg2[%mul3A_2] : memref<16384xi32, #tpu.memory_space<hbm>> -> memref<512xi32, #tpu.memory_space<hbm>>
      %dma_start3A_7 = tpu.memref_slice %arg2[%mul3A_2] : memref<16384xi32, #tpu.memory_space<hbm>> -> memref<512xi32, #tpu.memory_space<hbm>>
      tpu.enqueue_dma source(%dma_start3A_7 : memref<512xi32, #tpu.memory_space<hbm>>) target(%arg8 : memref<512xi32, #tpu.memory_space<vmem>>) target_semaphore(%run_scoped3A : memref<!tpu.dma_semaphore, #tpu.memory_space<semaphore_mem>>)
      %dma_wait3A = tpu.memref_slice %arg2[%mul3A_2] : memref<16384xi32, #tpu.memory_space<hbm>> -> memref<512xi32, #tpu.memory_space<hbm>>
      %dma_wait3A_8 = tpu.memref_slice %arg2[%mul3A_2] : memref<16384xi32, #tpu.memory_space<hbm>> -> memref<512xi32, #tpu.memory_space<hbm>>
      tpu.wait_dma2 semaphore(%run_scoped3A : memref<!tpu.dma_semaphore, #tpu.memory_space<semaphore_mem>>) src(%dma_wait3A_8 : memref<512xi32, #tpu.memory_space<hbm>>) dst(%arg8 : memref<512xi32, #tpu.memory_space<vmem>>)
      tpu.yield
    }) : () -> ()
    "tpu.region"() ({
      %run_scoped3A = tpu.sem_alloc : memref<!tpu.dma_semaphore, #tpu.memory_space<semaphore_mem>>
      %dma_start3A = tpu.memref_slice %arg3[%mul3A_2] : memref<16384xi32, #tpu.memory_space<hbm>> -> memref<512xi32, #tpu.memory_space<hbm>>
      %dma_start3A_7 = tpu.memref_slice %arg3[%mul3A_2] : memref<16384xi32, #tpu.memory_space<hbm>> -> memref<512xi32, #tpu.memory_space<hbm>>
      tpu.enqueue_dma source(%dma_start3A_7 : memref<512xi32, #tpu.memory_space<hbm>>) target(%arg9 : memref<512xi32, #tpu.memory_space<vmem>>) target_semaphore(%run_scoped3A : memref<!tpu.dma_semaphore, #tpu.memory_space<semaphore_mem>>)
      %dma_wait3A = tpu.memref_slice %arg3[%mul3A_2] : memref<16384xi32, #tpu.memory_space<hbm>> -> memref<512xi32, #tpu.memory_space<hbm>>
      %dma_wait3A_8 = tpu.memref_slice %arg3[%mul3A_2] : memref<16384xi32, #tpu.memory_space<hbm>> -> memref<512xi32, #tpu.memory_space<hbm>>
      tpu.wait_dma2 semaphore(%run_scoped3A : memref<!tpu.dma_semaphore, #tpu.memory_space<semaphore_mem>>) src(%dma_wait3A_8 : memref<512xi32, #tpu.memory_space<hbm>>) dst(%arg9 : memref<512xi32, #tpu.memory_space<vmem>>)
      tpu.yield
    }) : () -> ()
    %scan3A = arith.constant 0 : i32
    %scan3A_3 = arith.constant 2 : i32
    %scan3A_4 = arith.addi %scan3A, %scan3A_3 : i32
    %scan3A_5 = arith.constant 1 : i32
    scf.for %scan3A_7 = %scan3A to %scan3A_4 step %scan3A_5  : i32 {
      %mul3A_8 = arith.constant 1 : i32
      %mul3A_9 = arith.muli %scan3A_7, %mul3A_8 : i32
      %add3A_10 = arith.constant 0 : i32
      %add3A_11 = arith.addi %add3A_10, %mul3A_9 : i32
      %mul3A_12 = arith.constant 256 : i32
      %mul3A_13 = arith.muli %add3A_11, %mul3A_12 : i32
      %scan3A_14 = arith.constant 0 : i32
      %scan3A_15 = arith.constant 16 : i32
      %scan3A_16 = arith.addi %scan3A_14, %scan3A_15 : i32
      %scan3A_17 = arith.constant 1 : i32
      scf.for %scan3A_38 = %scan3A_14 to %scan3A_16 step %scan3A_17  : i32 {
        %mul3A_39 = arith.constant 1 : i32
        %mul3A_40 = arith.muli %scan3A_38, %mul3A_39 : i32
        %add3A_41 = arith.constant 0 : i32
        %add3A_42 = arith.addi %add3A_41, %mul3A_40 : i32
        %mul3A_43 = arith.constant 16 : i32
        %mul3A_44 = arith.muli %add3A_42, %mul3A_43 : i32
        %add3A_45 = arith.addi %mul3A_13, %mul3A_44 : i32
        %get3A = arith.index_cast %add3A_45 : i32 to index
        %get3A_46 = tpu.vector_load %arg8[%get3A] {strides = array<i32>} : memref<512xi32, #tpu.memory_space<vmem>>, vector<16xi32>,
        %get3A_47 = vector.shape_cast %get3A_46 : vector<16xi32> to vector<16xi32>
        %mul3A_48 = arith.constant 16 : i32
        %mul3A_49 = arith.muli %add3A_42, %mul3A_48 : i32
        %add3A_50 = arith.addi %mul3A_13, %mul3A_49 : i32
        %get3A_51 = arith.index_cast %add3A_50 : i32 to index
        %get3A_52 = tpu.vector_load %arg9[%get3A_51] {strides = array<i32>} : memref<512xi32, #tpu.memory_space<vmem>>, vector<16xi32>,
        %get3A_53 = vector.shape_cast %get3A_52 : vector<16xi32> to vector<16xi32>
        %slice3A = vector.extract_strided_slice %get3A_47 {offsets = [0], sizes = [1], strides = [1]} : vector<16xi32> to vector<1xi32>
        %squeeze3A = vector.extract %slice3A[0] : i32 from vector<1xi32>
        %slice3A_54 = vector.extract_strided_slice %get3A_53 {offsets = [0], sizes = [1], strides = [1]} : vector<16xi32> to vector<1xi32>
        %squeeze3A_55 = vector.extract %slice3A_54[0] : i32 from vector<1xi32>
        %mul3A_56 = arith.constant 16 : i32
        %mul3A_57 = arith.muli %add3A_42, %mul3A_56 : i32
        %add3A_58 = arith.constant 0 : i32
        %add3A_59 = arith.addi %mul3A_57, %add3A_58 : i32
        %shift_right_logical3A = arith.constant 3 : i32
        %shift_right_logical3A_60 = arith.shrui %squeeze3A, %shift_right_logical3A : i32
        %and3A = arith.constant 7 : i32
        %and3A_61 = arith.andi %squeeze3A, %and3A : i32
        %dma_start3A = arith.constant 0 : i32
        %dma_start3A_62 = tpu.memref_slice %arg10[%add3A_59, %dma_start3A] : memref<256x32xf32, #tpu.memory_space<vmem>> -> memref<1x32xf32, #tpu.memory_space<vmem>>
        %dma_start3A_63 = tpu.memref_squeeze %dma_start3A_62 : memref<1x32xf32, #tpu.memory_space<vmem>> -> memref<32xf32, #tpu.memory_space<vmem>>
        %dma_start3A_64 = arith.constant 0 : i32
        %dma_start3A_65 = tpu.memref_slice %arg4[%shift_right_logical3A_60, %and3A_61, %dma_start3A_64] : memref<125000x8x32xf32, #tpu.memory_space<hbm>> -> memref<1x1x32xf32, #tpu.memory_space<hbm>>
        %dma_start3A_66 = tpu.memref_squeeze %dma_start3A_65 : memref<1x1x32xf32, #tpu.memory_space<hbm>> -> memref<32xf32, #tpu.memory_space<hbm>>
        %dma_start3A_67 = arith.constant 0 : i32
        %dma_start3A_68 = tpu.memref_slice %arg10[%add3A_59, %dma_start3A_67] : memref<256x32xf32, #tpu.memory_space<vmem>> -> memref<1x32xf32, #tpu.memory_space<vmem>>
        %dma_start3A_69 = tpu.memref_squeeze %dma_start3A_68 : memref<1x32xf32, #tpu.memory_space<vmem>> -> memref<32xf32, #tpu.memory_space<vmem>>
        %dma_start3A_70 = arith.constant 0 : i32
        %dma_start3A_71 = tpu.memref_slice %arg4[%shift_right_logical3A_60, %and3A_61, %dma_start3A_70] : memref<125000x8x32xf32, #tpu.memory_space<hbm>> -> memref<1x1x32xf32, #tpu.memory_space<hbm>>
        %dma_start3A_72 = tpu.memref_squeeze %dma_start3A_71 : memref<1x1x32xf32, #tpu.memory_space<hbm>> -> memref<32xf32, #tpu.memory_space<hbm>>
        tpu.enqueue_dma source(%dma_start3A_72 : memref<32xf32, #tpu.memory_space<hbm>>) target(%dma_start3A_69 : memref<32xf32, #tpu.memory_space<vmem>>) target_semaphore(%arg12 : memref<!tpu.dma_semaphore, #tpu.memory_space<semaphore_mem>>)
        %shift_right_logical3A_73 = arith.constant 3 : i32
        %shift_right_logical3A_74 = arith.shrui %squeeze3A_55, %shift_right_logical3A_73 : i32
        %and3A_75 = arith.constant 7 : i32
        %and3A_76 = arith.andi %squeeze3A_55, %and3A_75 : i32
        %dma_start3A_77 = arith.constant 0 : i32
        %dma_start3A_78 = tpu.memref_slice %arg11[%add3A_59, %dma_start3A_77] : memref<256x32xf32, #tpu.memory_space<vmem>> -> memref<1x32xf32, #tpu.memory_space<vmem>>
        %dma_start3A_79 = tpu.memref_squeeze %dma_start3A_78 : memref<1x32xf32, #tpu.memory_space<vmem>> -> memref<32xf32, #tpu.memory_space<vmem>>
        %dma_start3A_80 = arith.constant 0 : i32
        %dma_start3A_81 = tpu.memref_slice %arg5[%shift_right_logical3A_74, %and3A_76, %dma_start3A_80] : memref<125000x8x32xf32, #tpu.memory_space<hbm>> -> memref<1x1x32xf32, #tpu.memory_space<hbm>>
        %dma_start3A_82 = tpu.memref_squeeze %dma_start3A_81 : memref<1x1x32xf32, #tpu.memory_space<hbm>> -> memref<32xf32, #tpu.memory_space<hbm>>
        %dma_start3A_83 = arith.constant 0 : i32
        %dma_start3A_84 = tpu.memref_slice %arg11[%add3A_59, %dma_start3A_83] : memref<256x32xf32, #tpu.memory_space<vmem>> -> memref<1x32xf32, #tpu.memory_space<vmem>>
        %dma_start3A_85 = tpu.memref_squeeze %dma_start3A_84 : memref<1x32xf32, #tpu.memory_space<vmem>> -> memref<32xf32, #tpu.memory_space<vmem>>
        %dma_start3A_86 = arith.constant 0 : i32
        %dma_start3A_87 = tpu.memref_slice %arg5[%shift_right_logical3A_74, %and3A_76, %dma_start3A_86] : memref<125000x8x32xf32, #tpu.memory_space<hbm>> -> memref<1x1x32xf32, #tpu.memory_space<hbm>>
        %dma_start3A_88 = tpu.memref_squeeze %dma_start3A_87 : memref<1x1x32xf32, #tpu.memory_space<hbm>> -> memref<32xf32, #tpu.memory_space<hbm>>
        tpu.enqueue_dma source(%dma_start3A_88 : memref<32xf32, #tpu.memory_space<hbm>>) target(%dma_start3A_85 : memref<32xf32, #tpu.memory_space<vmem>>) target_semaphore(%arg13 : memref<!tpu.dma_semaphore, #tpu.memory_space<semaphore_mem>>)
        %slice3A_89 = vector.extract_strided_slice %get3A_47 {offsets = [1], sizes = [1], strides = [1]} : vector<16xi32> to vector<1xi32>
        %squeeze3A_90 = vector.extract %slice3A_89[0] : i32 from vector<1xi32>
        %slice3A_91 = vector.extract_strided_slice %get3A_53 {offsets = [1], sizes = [1], strides = [1]} : vector<16xi32> to vector<1xi32>
        %squeeze3A_92 = vector.extract %slice3A_91[0] : i32 from vector<1xi32>
        %mul3A_93 = arith.constant 16 : i32
        %mul3A_94 = arith.muli %add3A_42, %mul3A_93 : i32
        %add3A_95 = arith.constant 1 : i32
        %add3A_96 = arith.addi %mul3A_94, %add3A_95 : i32
        %shift_right_logical3A_97 = arith.constant 3 : i32
        %shift_right_logical3A_98 = arith.shrui %squeeze3A_90, %shift_right_logical3A_97 : i32
        %and3A_99 = arith.constant 7 : i32
        %and3A_100 = arith.andi %squeeze3A_90, %and3A_99 : i32
        %dma_start3A_101 = arith.constant 0 : i32
        %dma_start3A_102 = tpu.memref_slice %arg10[%add3A_96, %dma_start3A_101] : memref<256x32xf32, #tpu.memory_space<vmem>> -> memref<1x32xf32, #tpu.memory_space<vmem>>
        %dma_start3A_103 = tpu.memref_squeeze %dma_start3A_102 : memref<1x32xf32, #tpu.memory_space<vmem>> -> memref<32xf32, #tpu.memory_space<vmem>>
        %dma_start3A_104 = arith.constant 0 : i32
        %dma_start3A_105 = tpu.memref_slice %arg4[%shift_right_logical3A_98, %and3A_100, %dma_start3A_104] : memref<125000x8x32xf32, #tpu.memory_space<hbm>> -> memref<1x1x32xf32, #tpu.memory_space<hbm>>
        %dma_start3A_106 = tpu.memref_squeeze %dma_start3A_105 : memref<1x1x32xf32, #tpu.memory_space<hbm>> -> memref<32xf32, #tpu.memory_space<hbm>>
        %dma_start3A_107 = arith.constant 0 : i32
        %dma_start3A_108 = tpu.memref_slice %arg10[%add3A_96, %dma_start3A_107] : memref<256x32xf32, #tpu.memory_space<vmem>> -> memref<1x32xf32, #tpu.memory_space<vmem>>
        %dma_start3A_109 = tpu.memref_squeeze %dma_start3A_108 : memref<1x32xf32, #tpu.memory_space<vmem>> -> memref<32xf32, #tpu.memory_space<vmem>>
        %dma_start3A_110 = arith.constant 0 : i32
        %dma_start3A_111 = tpu.memref_slice %arg4[%shift_right_logical3A_98, %and3A_100, %dma_start3A_110] : memref<125000x8x32xf32, #tpu.memory_space<hbm>> -> memref<1x1x32xf32, #tpu.memory_space<hbm>>
        %dma_start3A_112 = tpu.memref_squeeze %dma_start3A_111 : memref<1x1x32xf32, #tpu.memory_space<hbm>> -> memref<32xf32, #tpu.memory_space<hbm>>
        tpu.enqueue_dma source(%dma_start3A_112 : memref<32xf32, #tpu.memory_space<hbm>>) target(%dma_start3A_109 : memref<32xf32, #tpu.memory_space<vmem>>) target_semaphore(%arg12 : memref<!tpu.dma_semaphore, #tpu.memory_space<semaphore_mem>>)
        %shift_right_logical3A_113 = arith.constant 3 : i32
        %shift_right_logical3A_114 = arith.shrui %squeeze3A_92, %shift_right_logical3A_113 : i32
        %and3A_115 = arith.constant 7 : i32
        %and3A_116 = arith.andi %squeeze3A_92, %and3A_115 : i32
        %dma_start3A_117 = arith.constant 0 : i32
        %dma_start3A_118 = tpu.memref_slice %arg11[%add3A_96, %dma_start3A_117] : memref<256x32xf32, #tpu.memory_space<vmem>> -> memref<1x32xf32, #tpu.memory_space<vmem>>
        %dma_start3A_119 = tpu.memref_squeeze %dma_start3A_118 : memref<1x32xf32, #tpu.memory_space<vmem>> -> memref<32xf32, #tpu.memory_space<vmem>>
        %dma_start3A_120 = arith.constant 0 : i32
        %dma_start3A_121 = tpu.memref_slice %arg5[%shift_right_logical3A_114, %and3A_116, %dma_start3A_120] : memref<125000x8x32xf32, #tpu.memory_space<hbm>> -> memref<1x1x32xf32, #tpu.memory_space<hbm>>
        %dma_start3A_122 = tpu.memref_squeeze %dma_start3A_121 : memref<1x1x32xf32, #tpu.memory_space<hbm>> -> memref<32xf32, #tpu.memory_space<hbm>>
        %dma_start3A_123 = arith.constant 0 : i32
        %dma_start3A_124 = tpu.memref_slice %arg11[%add3A_96, %dma_start3A_123] : memref<256x32xf32, #tpu.memory_space<vmem>> -> memref<1x32xf32, #tpu.memory_space<vmem>>
        %dma_start3A_125 = tpu.memref_squeeze %dma_start3A_124 : memref<1x32xf32, #tpu.memory_space<vmem>> -> memref<32xf32, #tpu.memory_space<vmem>>
        %dma_start3A_126 = arith.constant 0 : i32
        %dma_start3A_127 = tpu.memref_slice %arg5[%shift_right_logical3A_114, %and3A_116, %dma_start3A_126] : memref<125000x8x32xf32, #tpu.memory_space<hbm>> -> memref<1x1x32xf32, #tpu.memory_space<hbm>>
        %dma_start3A_128 = tpu.memref_squeeze %dma_start3A_127 : memref<1x1x32xf32, #tpu.memory_space<hbm>> -> memref<32xf32, #tpu.memory_space<hbm>>
        tpu.enqueue_dma source(%dma_start3A_128 : memref<32xf32, #tpu.memory_space<hbm>>) target(%dma_start3A_125 : memref<32xf32, #tpu.memory_space<vmem>>) target_semaphore(%arg13 : memref<!tpu.dma_semaphore, #tpu.memory_space<semaphore_mem>>)
        %slice3A_129 = vector.extract_strided_slice %get3A_47 {offsets = [2], sizes = [1], strides = [1]} : vector<16xi32> to vector<1xi32>
        %squeeze3A_130 = vector.extract %slice3A_129[0] : i32 from vector<1xi32>
        %slice3A_131 = vector.extract_strided_slice %get3A_53 {offsets = [2], sizes = [1], strides = [1]} : vector<16xi32> to vector<1xi32>
        %squeeze3A_132 = vector.extract %slice3A_131[0] : i32 from vector<1xi32>
        %mul3A_133 = arith.constant 16 : i32
        %mul3A_134 = arith.muli %add3A_42, %mul3A_133 : i32
        %add3A_135 = arith.constant 2 : i32
        %add3A_136 = arith.addi %mul3A_134, %add3A_135 : i32
        %shift_right_logical3A_137 = arith.constant 3 : i32
        %shift_right_logical3A_138 = arith.shrui %squeeze3A_130, %shift_right_logical3A_137 : i32
        %and3A_139 = arith.constant 7 : i32
        %and3A_140 = arith.andi %squeeze3A_130, %and3A_139 : i32
        %dma_start3A_141 = arith.constant 0 : i32
        %dma_start3A_142 = tpu.memref_slice %arg10[%add3A_136, %dma_start3A_141] : memref<256x32xf32, #tpu.memory_space<vmem>> -> memref<1x32xf32, #tpu.memory_space<vmem>>
        %dma_start3A_143 = tpu.memref_squeeze %dma_start3A_142 : memref<1x32xf32, #tpu.memory_space<vmem>> -> memref<32xf32, #tpu.memory_space<vmem>>
        %dma_start3A_144 = arith.constant 0 : i32
        %dma_start3A_145 = tpu.memref_slice %arg4[%shift_right_logical3A_138, %and3A_140, %dma_start3A_144] : memref<125000x8x32xf32, #tpu.memory_space<hbm>> -> memref<1x1x32xf32, #tpu.memory_space<hbm>>
        %dma_start3A_146 = tpu.memref_squeeze %dma_start3A_145 : memref<1x1x32xf32, #tpu.memory_space<hbm>> -> memref<32xf32, #tpu.memory_space<hbm>>
        %dma_start3A_147 = arith.constant 0 : i32
        %dma_start3A_148 = tpu.memref_slice %arg10[%add3A_136, %dma_start3A_147] : memref<256x32xf32, #tpu.memory_space<vmem>> -> memref<1x32xf32, #tpu.memory_space<vmem>>
        %dma_start3A_149 = tpu.memref_squeeze %dma_start3A_148 : memref<1x32xf32, #tpu.memory_space<vmem>> -> memref<32xf32, #tpu.memory_space<vmem>>
        %dma_start3A_150 = arith.constant 0 : i32
        %dma_start3A_151 = tpu.memref_slice %arg4[%shift_right_logical3A_138, %and3A_140, %dma_start3A_150] : memref<125000x8x32xf32, #tpu.memory_space<hbm>> -> memref<1x1x32xf32, #tpu.memory_space<hbm>>
        %dma_start3A_152 = tpu.memref_squeeze %dma_start3A_151 : memref<1x1x32xf32, #tpu.memory_space<hbm>> -> memref<32xf32, #tpu.memory_space<hbm>>
        tpu.enqueue_dma source(%dma_start3A_152 : memref<32xf32, #tpu.memory_space<hbm>>) target(%dma_start3A_149 : memref<32xf32, #tpu.memory_space<vmem>>) target_semaphore(%arg12 : memref<!tpu.dma_semaphore, #tpu.memory_space<semaphore_mem>>)
        %shift_right_logical3A_153 = arith.constant 3 : i32
        %shift_right_logical3A_154 = arith.shrui %squeeze3A_132, %shift_right_logical3A_153 : i32
        %and3A_155 = arith.constant 7 : i32
        %and3A_156 = arith.andi %squeeze3A_132, %and3A_155 : i32
        %dma_start3A_157 = arith.constant 0 : i32
        %dma_start3A_158 = tpu.memref_slice %arg11[%add3A_136, %dma_start3A_157] : memref<256x32xf32, #tpu.memory_space<vmem>> -> memref<1x32xf32, #tpu.memory_space<vmem>>
        %dma_start3A_159 = tpu.memref_squeeze %dma_start3A_158 : memref<1x32xf32, #tpu.memory_space<vmem>> -> memref<32xf32, #tpu.memory_space<vmem>>
        %dma_start3A_160 = arith.constant 0 : i32
        %dma_start3A_161 = tpu.memref_slice %arg5[%shift_right_logical3A_154, %and3A_156, %dma_start3A_160] : memref<125000x8x32xf32, #tpu.memory_space<hbm>> -> memref<1x1x32xf32, #tpu.memory_space<hbm>>
        %dma_start3A_162 = tpu.memref_squeeze %dma_start3A_161 : memref<1x1x32xf32, #tpu.memory_space<hbm>> -> memref<32xf32, #tpu.memory_space<hbm>>
        %dma_start3A_163 = arith.constant 0 : i32
        %dma_start3A_164 = tpu.memref_slice %arg11[%add3A_136, %dma_start3A_163] : memref<256x32xf32, #tpu.memory_space<vmem>> -> memref<1x32xf32, #tpu.memory_space<vmem>>
        %dma_start3A_165 = tpu.memref_squeeze %dma_start3A_164 : memref<1x32xf32, #tpu.memory_space<vmem>> -> memref<32xf32, #tpu.memory_space<vmem>>
        %dma_start3A_166 = arith.constant 0 : i32
        %dma_start3A_167 = tpu.memref_slice %arg5[%shift_right_logical3A_154, %and3A_156, %dma_start3A_166] : memref<125000x8x32xf32, #tpu.memory_space<hbm>> -> memref<1x1x32xf32, #tpu.memory_space<hbm>>
        %dma_start3A_168 = tpu.memref_squeeze %dma_start3A_167 : memref<1x1x32xf32, #tpu.memory_space<hbm>> -> memref<32xf32, #tpu.memory_space<hbm>>
        tpu.enqueue_dma source(%dma_start3A_168 : memref<32xf32, #tpu.memory_space<hbm>>) target(%dma_start3A_165 : memref<32xf32, #tpu.memory_space<vmem>>) target_semaphore(%arg13 : memref<!tpu.dma_semaphore, #tpu.memory_space<semaphore_mem>>)
        %slice3A_169 = vector.extract_strided_slice %get3A_47 {offsets = [3], sizes = [1], strides = [1]} : vector<16xi32> to vector<1xi32>
        %squeeze3A_170 = vector.extract %slice3A_169[0] : i32 from vector<1xi32>
        %slice3A_171 = vector.extract_strided_slice %get3A_53 {offsets = [3], sizes = [1], strides = [1]} : vector<16xi32> to vector<1xi32>
        %squeeze3A_172 = vector.extract %slice3A_171[0] : i32 from vector<1xi32>
        %mul3A_173 = arith.constant 16 : i32
        %mul3A_174 = arith.muli %add3A_42, %mul3A_173 : i32
        %add3A_175 = arith.constant 3 : i32
        %add3A_176 = arith.addi %mul3A_174, %add3A_175 : i32
        %shift_right_logical3A_177 = arith.constant 3 : i32
        %shift_right_logical3A_178 = arith.shrui %squeeze3A_170, %shift_right_logical3A_177 : i32
        %and3A_179 = arith.constant 7 : i32
        %and3A_180 = arith.andi %squeeze3A_170, %and3A_179 : i32
        %dma_start3A_181 = arith.constant 0 : i32
        %dma_start3A_182 = tpu.memref_slice %arg10[%add3A_176, %dma_start3A_181] : memref<256x32xf32, #tpu.memory_space<vmem>> -> memref<1x32xf32, #tpu.memory_space<vmem>>
        %dma_start3A_183 = tpu.memref_squeeze %dma_start3A_182 : memref<1x32xf32, #tpu.memory_space<vmem>> -> memref<32xf32, #tpu.memory_space<vmem>>
        %dma_start3A_184 = arith.constant 0 : i32
        %dma_start3A_185 = tpu.memref_slice %arg4[%shift_right_logical3A_178, %and3A_180, %dma_start3A_184] : memref<125000x8x32xf32, #tpu.memory_space<hbm>> -> memref<1x1x32xf32, #tpu.memory_space<hbm>>
        %dma_start3A_186 = tpu.memref_squeeze %dma_start3A_185 : memref<1x1x32xf32, #tpu.memory_space<hbm>> -> memref<32xf32, #tpu.memory_space<hbm>>
        %dma_start3A_187 = arith.constant 0 : i32
        %dma_start3A_188 = tpu.memref_slice %arg10[%add3A_176, %dma_start3A_187] : memref<256x32xf32, #tpu.memory_space<vmem>> -> memref<1x32xf32, #tpu.memory_space<vmem>>
        %dma_start3A_189 = tpu.memref_squeeze %dma_start3A_188 : memref<1x32xf32, #tpu.memory_space<vmem>> -> memref<32xf32, #tpu.memory_space<vmem>>
        %dma_start3A_190 = arith.constant 0 : i32
        %dma_start3A_191 = tpu.memref_slice %arg4[%shift_right_logical3A_178, %and3A_180, %dma_start3A_190] : memref<125000x8x32xf32, #tpu.memory_space<hbm>> -> memref<1x1x32xf32, #tpu.memory_space<hbm>>
        %dma_start3A_192 = tpu.memref_squeeze %dma_start3A_191 : memref<1x1x32xf32, #tpu.memory_space<hbm>> -> memref<32xf32, #tpu.memory_space<hbm>>
        tpu.enqueue_dma source(%dma_start3A_192 : memref<32xf32, #tpu.memory_space<hbm>>) target(%dma_start3A_189 : memref<32xf32, #tpu.memory_space<vmem>>) target_semaphore(%arg12 : memref<!tpu.dma_semaphore, #tpu.memory_space<semaphore_mem>>)
        %shift_right_logical3A_193 = arith.constant 3 : i32
        %shift_right_logical3A_194 = arith.shrui %squeeze3A_172, %shift_right_logical3A_193 : i32
        %and3A_195 = arith.constant 7 : i32
        %and3A_196 = arith.andi %squeeze3A_172, %and3A_195 : i32
        %dma_start3A_197 = arith.constant 0 : i32
        %dma_start3A_198 = tpu.memref_slice %arg11[%add3A_176, %dma_start3A_197] : memref<256x32xf32, #tpu.memory_space<vmem>> -> memref<1x32xf32, #tpu.memory_space<vmem>>
        %dma_start3A_199 = tpu.memref_squeeze %dma_start3A_198 : memref<1x32xf32, #tpu.memory_space<vmem>> -> memref<32xf32, #tpu.memory_space<vmem>>
        %dma_start3A_200 = arith.constant 0 : i32
        %dma_start3A_201 = tpu.memref_slice %arg5[%shift_right_logical3A_194, %and3A_196, %dma_start3A_200] : memref<125000x8x32xf32, #tpu.memory_space<hbm>> -> memref<1x1x32xf32, #tpu.memory_space<hbm>>
        %dma_start3A_202 = tpu.memref_squeeze %dma_start3A_201 : memref<1x1x32xf32, #tpu.memory_space<hbm>> -> memref<32xf32, #tpu.memory_space<hbm>>
        %dma_start3A_203 = arith.constant 0 : i32
        %dma_start3A_204 = tpu.memref_slice %arg11[%add3A_176, %dma_start3A_203] : memref<256x32xf32, #tpu.memory_space<vmem>> -> memref<1x32xf32, #tpu.memory_space<vmem>>
        %dma_start3A_205 = tpu.memref_squeeze %dma_start3A_204 : memref<1x32xf32, #tpu.memory_space<vmem>> -> memref<32xf32, #tpu.memory_space<vmem>>
        %dma_start3A_206 = arith.constant 0 : i32
        %dma_start3A_207 = tpu.memref_slice %arg5[%shift_right_logical3A_194, %and3A_196, %dma_start3A_206] : memref<125000x8x32xf32, #tpu.memory_space<hbm>> -> memref<1x1x32xf32, #tpu.memory_space<hbm>>
        %dma_start3A_208 = tpu.memref_squeeze %dma_start3A_207 : memref<1x1x32xf32, #tpu.memory_space<hbm>> -> memref<32xf32, #tpu.memory_space<hbm>>
        tpu.enqueue_dma source(%dma_start3A_208 : memref<32xf32, #tpu.memory_space<hbm>>) target(%dma_start3A_205 : memref<32xf32, #tpu.memory_space<vmem>>) target_semaphore(%arg13 : memref<!tpu.dma_semaphore, #tpu.memory_space<semaphore_mem>>)
        %slice3A_209 = vector.extract_strided_slice %get3A_47 {offsets = [4], sizes = [1], strides = [1]} : vector<16xi32> to vector<1xi32>
        %squeeze3A_210 = vector.extract %slice3A_209[0] : i32 from vector<1xi32>
        %slice3A_211 = vector.extract_strided_slice %get3A_53 {offsets = [4], sizes = [1], strides = [1]} : vector<16xi32> to vector<1xi32>
        %squeeze3A_212 = vector.extract %slice3A_211[0] : i32 from vector<1xi32>
        %mul3A_213 = arith.constant 16 : i32
        %mul3A_214 = arith.muli %add3A_42, %mul3A_213 : i32
        %add3A_215 = arith.constant 4 : i32
        %add3A_216 = arith.addi %mul3A_214, %add3A_215 : i32
        %shift_right_logical3A_217 = arith.constant 3 : i32
        %shift_right_logical3A_218 = arith.shrui %squeeze3A_210, %shift_right_logical3A_217 : i32
        %and3A_219 = arith.constant 7 : i32
        %and3A_220 = arith.andi %squeeze3A_210, %and3A_219 : i32
        %dma_start3A_221 = arith.constant 0 : i32
        %dma_start3A_222 = tpu.memref_slice %arg10[%add3A_216, %dma_start3A_221] : memref<256x32xf32, #tpu.memory_space<vmem>> -> memref<1x32xf32, #tpu.memory_space<vmem>>
        %dma_start3A_223 = tpu.memref_squeeze %dma_start3A_222 : memref<1x32xf32, #tpu.memory_space<vmem>> -> memref<32xf32, #tpu.memory_space<vmem>>
        %dma_start3A_224 = arith.constant 0 : i32
        %dma_start3A_225 = tpu.memref_slice %arg4[%shift_right_logical3A_218, %and3A_220, %dma_start3A_224] : memref<125000x8x32xf32, #tpu.memory_space<hbm>> -> memref<1x1x32xf32, #tpu.memory_space<hbm>>
        %dma_start3A_226 = tpu.memref_squeeze %dma_start3A_225 : memref<1x1x32xf32, #tpu.memory_space<hbm>> -> memref<32xf32, #tpu.memory_space<hbm>>
        %dma_start3A_227 = arith.constant 0 : i32
        %dma_start3A_228 = tpu.memref_slice %arg10[%add3A_216, %dma_start3A_227] : memref<256x32xf32, #tpu.memory_space<vmem>> -> memref<1x32xf32, #tpu.memory_space<vmem>>
        %dma_start3A_229 = tpu.memref_squeeze %dma_start3A_228 : memref<1x32xf32, #tpu.memory_space<vmem>> -> memref<32xf32, #tpu.memory_space<vmem>>
        %dma_start3A_230 = arith.constant 0 : i32
        %dma_start3A_231 = tpu.memref_slice %arg4[%shift_right_logical3A_218, %and3A_220, %dma_start3A_230] : memref<125000x8x32xf32, #tpu.memory_space<hbm>> -> memref<1x1x32xf32, #tpu.memory_space<hbm>>
        %dma_start3A_232 = tpu.memref_squeeze %dma_start3A_231 : memref<1x1x32xf32, #tpu.memory_space<hbm>> -> memref<32xf32, #tpu.memory_space<hbm>>
        tpu.enqueue_dma source(%dma_start3A_232 : memref<32xf32, #tpu.memory_space<hbm>>) target(%dma_start3A_229 : memref<32xf32, #tpu.memory_space<vmem>>) target_semaphore(%arg12 : memref<!tpu.dma_semaphore, #tpu.memory_space<semaphore_mem>>)
        %shift_right_logical3A_233 = arith.constant 3 : i32
        %shift_right_logical3A_234 = arith.shrui %squeeze3A_212, %shift_right_logical3A_233 : i32
        %and3A_235 = arith.constant 7 : i32
        %and3A_236 = arith.andi %squeeze3A_212, %and3A_235 : i32
        %dma_start3A_237 = arith.constant 0 : i32
        %dma_start3A_238 = tpu.memref_slice %arg11[%add3A_216, %dma_start3A_237] : memref<256x32xf32, #tpu.memory_space<vmem>> -> memref<1x32xf32, #tpu.memory_space<vmem>>
        %dma_start3A_239 = tpu.memref_squeeze %dma_start3A_238 : memref<1x32xf32, #tpu.memory_space<vmem>> -> memref<32xf32, #tpu.memory_space<vmem>>
        %dma_start3A_240 = arith.constant 0 : i32
        %dma_start3A_241 = tpu.memref_slice %arg5[%shift_right_logical3A_234, %and3A_236, %dma_start3A_240] : memref<125000x8x32xf32, #tpu.memory_space<hbm>> -> memref<1x1x32xf32, #tpu.memory_space<hbm>>
        %dma_start3A_242 = tpu.memref_squeeze %dma_start3A_241 : memref<1x1x32xf32, #tpu.memory_space<hbm>> -> memref<32xf32, #tpu.memory_space<hbm>>
        %dma_start3A_243 = arith.constant 0 : i32
        %dma_start3A_244 = tpu.memref_slice %arg11[%add3A_216, %dma_start3A_243] : memref<256x32xf32, #tpu.memory_space<vmem>> -> memref<1x32xf32, #tpu.memory_space<vmem>>
        %dma_start3A_245 = tpu.memref_squeeze %dma_start3A_244 : memref<1x32xf32, #tpu.memory_space<vmem>> -> memref<32xf32, #tpu.memory_space<vmem>>
        %dma_start3A_246 = arith.constant 0 : i32
        %dma_start3A_247 = tpu.memref_slice %arg5[%shift_right_logical3A_234, %and3A_236, %dma_start3A_246] : memref<125000x8x32xf32, #tpu.memory_space<hbm>> -> memref<1x1x32xf32, #tpu.memory_space<hbm>>
        %dma_start3A_248 = tpu.memref_squeeze %dma_start3A_247 : memref<1x1x32xf32, #tpu.memory_space<hbm>> -> memref<32xf32, #tpu.memory_space<hbm>>
        tpu.enqueue_dma source(%dma_start3A_248 : memref<32xf32, #tpu.memory_space<hbm>>) target(%dma_start3A_245 : memref<32xf32, #tpu.memory_space<vmem>>) target_semaphore(%arg13 : memref<!tpu.dma_semaphore, #tpu.memory_space<semaphore_mem>>)
        %slice3A_249 = vector.extract_strided_slice %get3A_47 {offsets = [5], sizes = [1], strides = [1]} : vector<16xi32> to vector<1xi32>
        %squeeze3A_250 = vector.extract %slice3A_249[0] : i32 from vector<1xi32>
        %slice3A_251 = vector.extract_strided_slice %get3A_53 {offsets = [5], sizes = [1], strides = [1]} : vector<16xi32> to vector<1xi32>
        %squeeze3A_252 = vector.extract %slice3A_251[0] : i32 from vector<1xi32>
        %mul3A_253 = arith.constant 16 : i32
        %mul3A_254 = arith.muli %add3A_42, %mul3A_253 : i32
        %add3A_255 = arith.constant 5 : i32
        %add3A_256 = arith.addi %mul3A_254, %add3A_255 : i32
        %shift_right_logical3A_257 = arith.constant 3 : i32
        %shift_right_logical3A_258 = arith.shrui %squeeze3A_250, %shift_right_logical3A_257 : i32
        %and3A_259 = arith.constant 7 : i32
        %and3A_260 = arith.andi %squeeze3A_250, %and3A_259 : i32
        %dma_start3A_261 = arith.constant 0 : i32
        %dma_start3A_262 = tpu.memref_slice %arg10[%add3A_256, %dma_start3A_261] : memref<256x32xf32, #tpu.memory_space<vmem>> -> memref<1x32xf32, #tpu.memory_space<vmem>>
        %dma_start3A_263 = tpu.memref_squeeze %dma_start3A_262 : memref<1x32xf32, #tpu.memory_space<vmem>> -> memref<32xf32, #tpu.memory_space<vmem>>
        %dma_start3A_264 = arith.constant 0 : i32
        %dma_start3A_265 = tpu.memref_slice %arg4[%shift_right_logical3A_258, %and3A_260, %dma_start3A_264] : memref<125000x8x32xf32, #tpu.memory_space<hbm>> -> memref<1x1x32xf32, #tpu.memory_space<hbm>>
        %dma_start3A_266 = tpu.memref_squeeze %dma_start3A_265 : memref<1x1x32xf32, #tpu.memory_space<hbm>> -> memref<32xf32, #tpu.memory_space<hbm>>
        %dma_start3A_267 = arith.constant 0 : i32
        %dma_start3A_268 = tpu.memref_slice %arg10[%add3A_256, %dma_start3A_267] : memref<256x32xf32, #tpu.memory_space<vmem>> -> memref<1x32xf32, #tpu.memory_space<vmem>>
        %dma_start3A_269 = tpu.memref_squeeze %dma_start3A_268 : memref<1x32xf32, #tpu.memory_space<vmem>> -> memref<32xf32, #tpu.memory_space<vmem>>
        %dma_start3A_270 = arith.constant 0 : i32
        %dma_start3A_271 = tpu.memref_slice %arg4[%shift_right_logical3A_258, %and3A_260, %dma_start3A_270] : memref<125000x8x32xf32, #tpu.memory_space<hbm>> -> memref<1x1x32xf32, #tpu.memory_space<hbm>>
        %dma_start3A_272 = tpu.memref_squeeze %dma_start3A_271 : memref<1x1x32xf32, #tpu.memory_space<hbm>> -> memref<32xf32, #tpu.memory_space<hbm>>
        tpu.enqueue_dma source(%dma_start3A_272 : memref<32xf32, #tpu.memory_space<hbm>>) target(%dma_start3A_269 : memref<32xf32, #tpu.memory_space<vmem>>) target_semaphore(%arg12 : memref<!tpu.dma_semaphore, #tpu.memory_space<semaphore_mem>>)
        %shift_right_logical3A_273 = arith.constant 3 : i32
        %shift_right_logical3A_274 = arith.shrui %squeeze3A_252, %shift_right_logical3A_273 : i32
        %and3A_275 = arith.constant 7 : i32
        %and3A_276 = arith.andi %squeeze3A_252, %and3A_275 : i32
        %dma_start3A_277 = arith.constant 0 : i32
        %dma_start3A_278 = tpu.memref_slice %arg11[%add3A_256, %dma_start3A_277] : memref<256x32xf32, #tpu.memory_space<vmem>> -> memref<1x32xf32, #tpu.memory_space<vmem>>
        %dma_start3A_279 = tpu.memref_squeeze %dma_start3A_278 : memref<1x32xf32, #tpu.memory_space<vmem>> -> memref<32xf32, #tpu.memory_space<vmem>>
        %dma_start3A_280 = arith.constant 0 : i32
        %dma_start3A_281 = tpu.memref_slice %arg5[%shift_right_logical3A_274, %and3A_276, %dma_start3A_280] : memref<125000x8x32xf32, #tpu.memory_space<hbm>> -> memref<1x1x32xf32, #tpu.memory_space<hbm>>
        %dma_start3A_282 = tpu.memref_squeeze %dma_start3A_281 : memref<1x1x32xf32, #tpu.memory_space<hbm>> -> memref<32xf32, #tpu.memory_space<hbm>>
        %dma_start3A_283 = arith.constant 0 : i32
        %dma_start3A_284 = tpu.memref_slice %arg11[%add3A_256, %dma_start3A_283] : memref<256x32xf32, #tpu.memory_space<vmem>> -> memref<1x32xf32, #tpu.memory_space<vmem>>
        %dma_start3A_285 = tpu.memref_squeeze %dma_start3A_284 : memref<1x32xf32, #tpu.memory_space<vmem>> -> memref<32xf32, #tpu.memory_space<vmem>>
        %dma_start3A_286 = arith.constant 0 : i32
        %dma_start3A_287 = tpu.memref_slice %arg5[%shift_right_logical3A_274, %and3A_276, %dma_start3A_286] : memref<125000x8x32xf32, #tpu.memory_space<hbm>> -> memref<1x1x32xf32, #tpu.memory_space<hbm>>
        %dma_start3A_288 = tpu.memref_squeeze %dma_start3A_287 : memref<1x1x32xf32, #tpu.memory_space<hbm>> -> memref<32xf32, #tpu.memory_space<hbm>>
        tpu.enqueue_dma source(%dma_start3A_288 : memref<32xf32, #tpu.memory_space<hbm>>) target(%dma_start3A_285 : memref<32xf32, #tpu.memory_space<vmem>>) target_semaphore(%arg13 : memref<!tpu.dma_semaphore, #tpu.memory_space<semaphore_mem>>)
        %slice3A_289 = vector.extract_strided_slice %get3A_47 {offsets = [6], sizes = [1], strides = [1]} : vector<16xi32> to vector<1xi32>
        %squeeze3A_290 = vector.extract %slice3A_289[0] : i32 from vector<1xi32>
        %slice3A_291 = vector.extract_strided_slice %get3A_53 {offsets = [6], sizes = [1], strides = [1]} : vector<16xi32> to vector<1xi32>
        %squeeze3A_292 = vector.extract %slice3A_291[0] : i32 from vector<1xi32>
        %mul3A_293 = arith.constant 16 : i32
        %mul3A_294 = arith.muli %add3A_42, %mul3A_293 : i32
        %add3A_295 = arith.constant 6 : i32
        %add3A_296 = arith.addi %mul3A_294, %add3A_295 : i32
        %shift_right_logical3A_297 = arith.constant 3 : i32
        %shift_right_logical3A_298 = arith.shrui %squeeze3A_290, %shift_right_logical3A_297 : i32
        %and3A_299 = arith.constant 7 : i32
        %and3A_300 = arith.andi %squeeze3A_290, %and3A_299 : i32
        %dma_start3A_301 = arith.constant 0 : i32
        %dma_start3A_302 = tpu.memref_slice %arg10[%add3A_296, %dma_start3A_301] : memref<256x32xf32, #tpu.memory_space<vmem>> -> memref<1x32xf32, #tpu.memory_space<vmem>>
        %dma_start3A_303 = tpu.memref_squeeze %dma_start3A_302 : memref<1x32xf32, #tpu.memory_space<vmem>> -> memref<32xf32, #tpu.memory_space<vmem>>
        %dma_start3A_304 = arith.constant 0 : i32
        %dma_start3A_305 = tpu.memref_slice %arg4[%shift_right_logical3A_298, %and3A_300, %dma_start3A_304] : memref<125000x8x32xf32, #tpu.memory_space<hbm>> -> memref<1x1x32xf32, #tpu.memory_space<hbm>>
        %dma_start3A_306 = tpu.memref_squeeze %dma_start3A_305 : memref<1x1x32xf32, #tpu.memory_space<hbm>> -> memref<32xf32, #tpu.memory_space<hbm>>
        %dma_start3A_307 = arith.constant 0 : i32
        %dma_start3A_308 = tpu.memref_slice %arg10[%add3A_296, %dma_start3A_307] : memref<256x32xf32, #tpu.memory_space<vmem>> -> memref<1x32xf32, #tpu.memory_space<vmem>>
        %dma_start3A_309 = tpu.memref_squeeze %dma_start3A_308 : memref<1x32xf32, #tpu.memory_space<vmem>> -> memref<32xf32, #tpu.memory_space<vmem>>
        %dma_start3A_310 = arith.constant 0 : i32
        %dma_start3A_311 = tpu.memref_slice %arg4[%shift_right_logical3A_298, %and3A_300, %dma_start3A_310] : memref<125000x8x32xf32, #tpu.memory_space<hbm>> -> memref<1x1x32xf32, #tpu.memory_space<hbm>>
        %dma_start3A_312 = tpu.memref_squeeze %dma_start3A_311 : memref<1x1x32xf32, #tpu.memory_space<hbm>> -> memref<32xf32, #tpu.memory_space<hbm>>
        tpu.enqueue_dma source(%dma_start3A_312 : memref<32xf32, #tpu.memory_space<hbm>>) target(%dma_start3A_309 : memref<32xf32, #tpu.memory_space<vmem>>) target_semaphore(%arg12 : memref<!tpu.dma_semaphore, #tpu.memory_space<semaphore_mem>>)
        %shift_right_logical3A_313 = arith.constant 3 : i32
        %shift_right_logical3A_314 = arith.shrui %squeeze3A_292, %shift_right_logical3A_313 : i32
        %and3A_315 = arith.constant 7 : i32
        %and3A_316 = arith.andi %squeeze3A_292, %and3A_315 : i32
        %dma_start3A_317 = arith.constant 0 : i32
        %dma_start3A_318 = tpu.memref_slice %arg11[%add3A_296, %dma_start3A_317] : memref<256x32xf32, #tpu.memory_space<vmem>> -> memref<1x32xf32, #tpu.memory_space<vmem>>
        %dma_start3A_319 = tpu.memref_squeeze %dma_start3A_318 : memref<1x32xf32, #tpu.memory_space<vmem>> -> memref<32xf32, #tpu.memory_space<vmem>>
        %dma_start3A_320 = arith.constant 0 : i32
        %dma_start3A_321 = tpu.memref_slice %arg5[%shift_right_logical3A_314, %and3A_316, %dma_start3A_320] : memref<125000x8x32xf32, #tpu.memory_space<hbm>> -> memref<1x1x32xf32, #tpu.memory_space<hbm>>
        %dma_start3A_322 = tpu.memref_squeeze %dma_start3A_321 : memref<1x1x32xf32, #tpu.memory_space<hbm>> -> memref<32xf32, #tpu.memory_space<hbm>>
        %dma_start3A_323 = arith.constant 0 : i32
        %dma_start3A_324 = tpu.memref_slice %arg11[%add3A_296, %dma_start3A_323] : memref<256x32xf32, #tpu.memory_space<vmem>> -> memref<1x32xf32, #tpu.memory_space<vmem>>
        %dma_start3A_325 = tpu.memref_squeeze %dma_start3A_324 : memref<1x32xf32, #tpu.memory_space<vmem>> -> memref<32xf32, #tpu.memory_space<vmem>>
        %dma_start3A_326 = arith.constant 0 : i32
        %dma_start3A_327 = tpu.memref_slice %arg5[%shift_right_logical3A_314, %and3A_316, %dma_start3A_326] : memref<125000x8x32xf32, #tpu.memory_space<hbm>> -> memref<1x1x32xf32, #tpu.memory_space<hbm>>
        %dma_start3A_328 = tpu.memref_squeeze %dma_start3A_327 : memref<1x1x32xf32, #tpu.memory_space<hbm>> -> memref<32xf32, #tpu.memory_space<hbm>>
        tpu.enqueue_dma source(%dma_start3A_328 : memref<32xf32, #tpu.memory_space<hbm>>) target(%dma_start3A_325 : memref<32xf32, #tpu.memory_space<vmem>>) target_semaphore(%arg13 : memref<!tpu.dma_semaphore, #tpu.memory_space<semaphore_mem>>)
        %slice3A_329 = vector.extract_strided_slice %get3A_47 {offsets = [7], sizes = [1], strides = [1]} : vector<16xi32> to vector<1xi32>
        %squeeze3A_330 = vector.extract %slice3A_329[0] : i32 from vector<1xi32>
        %slice3A_331 = vector.extract_strided_slice %get3A_53 {offsets = [7], sizes = [1], strides = [1]} : vector<16xi32> to vector<1xi32>
        %squeeze3A_332 = vector.extract %slice3A_331[0] : i32 from vector<1xi32>
        %mul3A_333 = arith.constant 16 : i32
        %mul3A_334 = arith.muli %add3A_42, %mul3A_333 : i32
        %add3A_335 = arith.constant 7 : i32
        %add3A_336 = arith.addi %mul3A_334, %add3A_335 : i32
        %shift_right_logical3A_337 = arith.constant 3 : i32
        %shift_right_logical3A_338 = arith.shrui %squeeze3A_330, %shift_right_logical3A_337 : i32
        %and3A_339 = arith.constant 7 : i32
        %and3A_340 = arith.andi %squeeze3A_330, %and3A_339 : i32
        %dma_start3A_341 = arith.constant 0 : i32
        %dma_start3A_342 = tpu.memref_slice %arg10[%add3A_336, %dma_start3A_341] : memref<256x32xf32, #tpu.memory_space<vmem>> -> memref<1x32xf32, #tpu.memory_space<vmem>>
        %dma_start3A_343 = tpu.memref_squeeze %dma_start3A_342 : memref<1x32xf32, #tpu.memory_space<vmem>> -> memref<32xf32, #tpu.memory_space<vmem>>
        %dma_start3A_344 = arith.constant 0 : i32
        %dma_start3A_345 = tpu.memref_slice %arg4[%shift_right_logical3A_338, %and3A_340, %dma_start3A_344] : memref<125000x8x32xf32, #tpu.memory_space<hbm>> -> memref<1x1x32xf32, #tpu.memory_space<hbm>>
        %dma_start3A_346 = tpu.memref_squeeze %dma_start3A_345 : memref<1x1x32xf32, #tpu.memory_space<hbm>> -> memref<32xf32, #tpu.memory_space<hbm>>
        %dma_start3A_347 = arith.constant 0 : i32
        %dma_start3A_348 = tpu.memref_slice %arg10[%add3A_336, %dma_start3A_347] : memref<256x32xf32, #tpu.memory_space<vmem>> -> memref<1x32xf32, #tpu.memory_space<vmem>>
        %dma_start3A_349 = tpu.memref_squeeze %dma_start3A_348 : memref<1x32xf32, #tpu.memory_space<vmem>> -> memref<32xf32, #tpu.memory_space<vmem>>
        %dma_start3A_350 = arith.constant 0 : i32
        %dma_start3A_351 = tpu.memref_slice %arg4[%shift_right_logical3A_338, %and3A_340, %dma_start3A_350] : memref<125000x8x32xf32, #tpu.memory_space<hbm>> -> memref<1x1x32xf32, #tpu.memory_space<hbm>>
        %dma_start3A_352 = tpu.memref_squeeze %dma_start3A_351 : memref<1x1x32xf32, #tpu.memory_space<hbm>> -> memref<32xf32, #tpu.memory_space<hbm>>
        tpu.enqueue_dma source(%dma_start3A_352 : memref<32xf32, #tpu.memory_space<hbm>>) target(%dma_start3A_349 : memref<32xf32, #tpu.memory_space<vmem>>) target_semaphore(%arg12 : memref<!tpu.dma_semaphore, #tpu.memory_space<semaphore_mem>>)
        %shift_right_logical3A_353 = arith.constant 3 : i32
        %shift_right_logical3A_354 = arith.shrui %squeeze3A_332, %shift_right_logical3A_353 : i32
        %and3A_355 = arith.constant 7 : i32
        %and3A_356 = arith.andi %squeeze3A_332, %and3A_355 : i32
        %dma_start3A_357 = arith.constant 0 : i32
        %dma_start3A_358 = tpu.memref_slice %arg11[%add3A_336, %dma_start3A_357] : memref<256x32xf32, #tpu.memory_space<vmem>> -> memref<1x32xf32, #tpu.memory_space<vmem>>
        %dma_start3A_359 = tpu.memref_squeeze %dma_start3A_358 : memref<1x32xf32, #tpu.memory_space<vmem>> -> memref<32xf32, #tpu.memory_space<vmem>>
        %dma_start3A_360 = arith.constant 0 : i32
        %dma_start3A_361 = tpu.memref_slice %arg5[%shift_right_logical3A_354, %and3A_356, %dma_start3A_360] : memref<125000x8x32xf32, #tpu.memory_space<hbm>> -> memref<1x1x32xf32, #tpu.memory_space<hbm>>
        %dma_start3A_362 = tpu.memref_squeeze %dma_start3A_361 : memref<1x1x32xf32, #tpu.memory_space<hbm>> -> memref<32xf32, #tpu.memory_space<hbm>>
        %dma_start3A_363 = arith.constant 0 : i32
        %dma_start3A_364 = tpu.memref_slice %arg11[%add3A_336, %dma_start3A_363] : memref<256x32xf32, #tpu.memory_space<vmem>> -> memref<1x32xf32, #tpu.memory_space<vmem>>
        %dma_start3A_365 = tpu.memref_squeeze %dma_start3A_364 : memref<1x32xf32, #tpu.memory_space<vmem>> -> memref<32xf32, #tpu.memory_space<vmem>>
        %dma_start3A_366 = arith.constant 0 : i32
        %dma_start3A_367 = tpu.memref_slice %arg5[%shift_right_logical3A_354, %and3A_356, %dma_start3A_366] : memref<125000x8x32xf32, #tpu.memory_space<hbm>> -> memref<1x1x32xf32, #tpu.memory_space<hbm>>
        %dma_start3A_368 = tpu.memref_squeeze %dma_start3A_367 : memref<1x1x32xf32, #tpu.memory_space<hbm>> -> memref<32xf32, #tpu.memory_space<hbm>>
        tpu.enqueue_dma source(%dma_start3A_368 : memref<32xf32, #tpu.memory_space<hbm>>) target(%dma_start3A_365 : memref<32xf32, #tpu.memory_space<vmem>>) target_semaphore(%arg13 : memref<!tpu.dma_semaphore, #tpu.memory_space<semaphore_mem>>)
        %slice3A_369 = vector.extract_strided_slice %get3A_47 {offsets = [8], sizes = [1], strides = [1]} : vector<16xi32> to vector<1xi32>
        %squeeze3A_370 = vector.extract %slice3A_369[0] : i32 from vector<1xi32>
        %slice3A_371 = vector.extract_strided_slice %get3A_53 {offsets = [8], sizes = [1], strides = [1]} : vector<16xi32> to vector<1xi32>
        %squeeze3A_372 = vector.extract %slice3A_371[0] : i32 from vector<1xi32>
        %mul3A_373 = arith.constant 16 : i32
        %mul3A_374 = arith.muli %add3A_42, %mul3A_373 : i32
        %add3A_375 = arith.constant 8 : i32
        %add3A_376 = arith.addi %mul3A_374, %add3A_375 : i32
        %shift_right_logical3A_377 = arith.constant 3 : i32
        %shift_right_logical3A_378 = arith.shrui %squeeze3A_370, %shift_right_logical3A_377 : i32
        %and3A_379 = arith.constant 7 : i32
        %and3A_380 = arith.andi %squeeze3A_370, %and3A_379 : i32
        %dma_start3A_381 = arith.constant 0 : i32
        %dma_start3A_382 = tpu.memref_slice %arg10[%add3A_376, %dma_start3A_381] : memref<256x32xf32, #tpu.memory_space<vmem>> -> memref<1x32xf32, #tpu.memory_space<vmem>>
        %dma_start3A_383 = tpu.memref_squeeze %dma_start3A_382 : memref<1x32xf32, #tpu.memory_space<vmem>> -> memref<32xf32, #tpu.memory_space<vmem>>
        %dma_start3A_384 = arith.constant 0 : i32
        %dma_start3A_385 = tpu.memref_slice %arg4[%shift_right_logical3A_378, %and3A_380, %dma_start3A_384] : memref<125000x8x32xf32, #tpu.memory_space<hbm>> -> memref<1x1x32xf32, #tpu.memory_space<hbm>>
        %dma_start3A_386 = tpu.memref_squeeze %dma_start3A_385 : memref<1x1x32xf32, #tpu.memory_space<hbm>> -> memref<32xf32, #tpu.memory_space<hbm>>
        %dma_start3A_387 = arith.constant 0 : i32
        %dma_start3A_388 = tpu.memref_slice %arg10[%add3A_376, %dma_start3A_387] : memref<256x32xf32, #tpu.memory_space<vmem>> -> memref<1x32xf32, #tpu.memory_space<vmem>>
        %dma_start3A_389 = tpu.memref_squeeze %dma_start3A_388 : memref<1x32xf32, #tpu.memory_space<vmem>> -> memref<32xf32, #tpu.memory_space<vmem>>
        %dma_start3A_390 = arith.constant 0 : i32
        %dma_start3A_391 = tpu.memref_slice %arg4[%shift_right_logical3A_378, %and3A_380, %dma_start3A_390] : memref<125000x8x32xf32, #tpu.memory_space<hbm>> -> memref<1x1x32xf32, #tpu.memory_space<hbm>>
        %dma_start3A_392 = tpu.memref_squeeze %dma_start3A_391 : memref<1x1x32xf32, #tpu.memory_space<hbm>> -> memref<32xf32, #tpu.memory_space<hbm>>
        tpu.enqueue_dma source(%dma_start3A_392 : memref<32xf32, #tpu.memory_space<hbm>>) target(%dma_start3A_389 : memref<32xf32, #tpu.memory_space<vmem>>) target_semaphore(%arg12 : memref<!tpu.dma_semaphore, #tpu.memory_space<semaphore_mem>>)
        %shift_right_logical3A_393 = arith.constant 3 : i32
        %shift_right_logical3A_394 = arith.shrui %squeeze3A_372, %shift_right_logical3A_393 : i32
        %and3A_395 = arith.constant 7 : i32
        %and3A_396 = arith.andi %squeeze3A_372, %and3A_395 : i32
        %dma_start3A_397 = arith.constant 0 : i32
        %dma_start3A_398 = tpu.memref_slice %arg11[%add3A_376, %dma_start3A_397] : memref<256x32xf32, #tpu.memory_space<vmem>> -> memref<1x32xf32, #tpu.memory_space<vmem>>
        %dma_start3A_399 = tpu.memref_squeeze %dma_start3A_398 : memref<1x32xf32, #tpu.memory_space<vmem>> -> memref<32xf32, #tpu.memory_space<vmem>>
        %dma_start3A_400 = arith.constant 0 : i32
        %dma_start3A_401 = tpu.memref_slice %arg5[%shift_right_logical3A_394, %and3A_396, %dma_start3A_400] : memref<125000x8x32xf32, #tpu.memory_space<hbm>> -> memref<1x1x32xf32, #tpu.memory_space<hbm>>
        %dma_start3A_402 = tpu.memref_squeeze %dma_start3A_401 : memref<1x1x32xf32, #tpu.memory_space<hbm>> -> memref<32xf32, #tpu.memory_space<hbm>>
        %dma_start3A_403 = arith.constant 0 : i32
        %dma_start3A_404 = tpu.memref_slice %arg11[%add3A_376, %dma_start3A_403] : memref<256x32xf32, #tpu.memory_space<vmem>> -> memref<1x32xf32, #tpu.memory_space<vmem>>
        %dma_start3A_405 = tpu.memref_squeeze %dma_start3A_404 : memref<1x32xf32, #tpu.memory_space<vmem>> -> memref<32xf32, #tpu.memory_space<vmem>>
        %dma_start3A_406 = arith.constant 0 : i32
        %dma_start3A_407 = tpu.memref_slice %arg5[%shift_right_logical3A_394, %and3A_396, %dma_start3A_406] : memref<125000x8x32xf32, #tpu.memory_space<hbm>> -> memref<1x1x32xf32, #tpu.memory_space<hbm>>
        %dma_start3A_408 = tpu.memref_squeeze %dma_start3A_407 : memref<1x1x32xf32, #tpu.memory_space<hbm>> -> memref<32xf32, #tpu.memory_space<hbm>>
        tpu.enqueue_dma source(%dma_start3A_408 : memref<32xf32, #tpu.memory_space<hbm>>) target(%dma_start3A_405 : memref<32xf32, #tpu.memory_space<vmem>>) target_semaphore(%arg13 : memref<!tpu.dma_semaphore, #tpu.memory_space<semaphore_mem>>)
        %slice3A_409 = vector.extract_strided_slice %get3A_47 {offsets = [9], sizes = [1], strides = [1]} : vector<16xi32> to vector<1xi32>
        %squeeze3A_410 = vector.extract %slice3A_409[0] : i32 from vector<1xi32>
        %slice3A_411 = vector.extract_strided_slice %get3A_53 {offsets = [9], sizes = [1], strides = [1]} : vector<16xi32> to vector<1xi32>
        %squeeze3A_412 = vector.extract %slice3A_411[0] : i32 from vector<1xi32>
        %mul3A_413 = arith.constant 16 : i32
        %mul3A_414 = arith.muli %add3A_42, %mul3A_413 : i32
        %add3A_415 = arith.constant 9 : i32
        %add3A_416 = arith.addi %mul3A_414, %add3A_415 : i32
        %shift_right_logical3A_417 = arith.constant 3 : i32
        %shift_right_logical3A_418 = arith.shrui %squeeze3A_410, %shift_right_logical3A_417 : i32
        %and3A_419 = arith.constant 7 : i32
        %and3A_420 = arith.andi %squeeze3A_410, %and3A_419 : i32
        %dma_start3A_421 = arith.constant 0 : i32
        %dma_start3A_422 = tpu.memref_slice %arg10[%add3A_416, %dma_start3A_421] : memref<256x32xf32, #tpu.memory_space<vmem>> -> memref<1x32xf32, #tpu.memory_space<vmem>>
        %dma_start3A_423 = tpu.memref_squeeze %dma_start3A_422 : memref<1x32xf32, #tpu.memory_space<vmem>> -> memref<32xf32, #tpu.memory_space<vmem>>
        %dma_start3A_424 = arith.constant 0 : i32
        %dma_start3A_425 = tpu.memref_slice %arg4[%shift_right_logical3A_418, %and3A_420, %dma_start3A_424] : memref<125000x8x32xf32, #tpu.memory_space<hbm>> -> memref<1x1x32xf32, #tpu.memory_space<hbm>>
        %dma_start3A_426 = tpu.memref_squeeze %dma_start3A_425 : memref<1x1x32xf32, #tpu.memory_space<hbm>> -> memref<32xf32, #tpu.memory_space<hbm>>
        %dma_start3A_427 = arith.constant 0 : i32
        %dma_start3A_428 = tpu.memref_slice %arg10[%add3A_416, %dma_start3A_427] : memref<256x32xf32, #tpu.memory_space<vmem>> -> memref<1x32xf32, #tpu.memory_space<vmem>>
        %dma_start3A_429 = tpu.memref_squeeze %dma_start3A_428 : memref<1x32xf32, #tpu.memory_space<vmem>> -> memref<32xf32, #tpu.memory_space<vmem>>
        %dma_start3A_430 = arith.constant 0 : i32
        %dma_start3A_431 = tpu.memref_slice %arg4[%shift_right_logical3A_418, %and3A_420, %dma_start3A_430] : memref<125000x8x32xf32, #tpu.memory_space<hbm>> -> memref<1x1x32xf32, #tpu.memory_space<hbm>>
        %dma_start3A_432 = tpu.memref_squeeze %dma_start3A_431 : memref<1x1x32xf32, #tpu.memory_space<hbm>> -> memref<32xf32, #tpu.memory_space<hbm>>
        tpu.enqueue_dma source(%dma_start3A_432 : memref<32xf32, #tpu.memory_space<hbm>>) target(%dma_start3A_429 : memref<32xf32, #tpu.memory_space<vmem>>) target_semaphore(%arg12 : memref<!tpu.dma_semaphore, #tpu.memory_space<semaphore_mem>>)
        %shift_right_logical3A_433 = arith.constant 3 : i32
        %shift_right_logical3A_434 = arith.shrui %squeeze3A_412, %shift_right_logical3A_433 : i32
        %and3A_435 = arith.constant 7 : i32
        %and3A_436 = arith.andi %squeeze3A_412, %and3A_435 : i32
        %dma_start3A_437 = arith.constant 0 : i32
        %dma_start3A_438 = tpu.memref_slice %arg11[%add3A_416, %dma_start3A_437] : memref<256x32xf32, #tpu.memory_space<vmem>> -> memref<1x32xf32, #tpu.memory_space<vmem>>
        %dma_start3A_439 = tpu.memref_squeeze %dma_start3A_438 : memref<1x32xf32, #tpu.memory_space<vmem>> -> memref<32xf32, #tpu.memory_space<vmem>>
        %dma_start3A_440 = arith.constant 0 : i32
        %dma_start3A_441 = tpu.memref_slice %arg5[%shift_right_logical3A_434, %and3A_436, %dma_start3A_440] : memref<125000x8x32xf32, #tpu.memory_space<hbm>> -> memref<1x1x32xf32, #tpu.memory_space<hbm>>
        %dma_start3A_442 = tpu.memref_squeeze %dma_start3A_441 : memref<1x1x32xf32, #tpu.memory_space<hbm>> -> memref<32xf32, #tpu.memory_space<hbm>>
        %dma_start3A_443 = arith.constant 0 : i32
        %dma_start3A_444 = tpu.memref_slice %arg11[%add3A_416, %dma_start3A_443] : memref<256x32xf32, #tpu.memory_space<vmem>> -> memref<1x32xf32, #tpu.memory_space<vmem>>
        %dma_start3A_445 = tpu.memref_squeeze %dma_start3A_444 : memref<1x32xf32, #tpu.memory_space<vmem>> -> memref<32xf32, #tpu.memory_space<vmem>>
        %dma_start3A_446 = arith.constant 0 : i32
        %dma_start3A_447 = tpu.memref_slice %arg5[%shift_right_logical3A_434, %and3A_436, %dma_start3A_446] : memref<125000x8x32xf32, #tpu.memory_space<hbm>> -> memref<1x1x32xf32, #tpu.memory_space<hbm>>
        %dma_start3A_448 = tpu.memref_squeeze %dma_start3A_447 : memref<1x1x32xf32, #tpu.memory_space<hbm>> -> memref<32xf32, #tpu.memory_space<hbm>>
        tpu.enqueue_dma source(%dma_start3A_448 : memref<32xf32, #tpu.memory_space<hbm>>) target(%dma_start3A_445 : memref<32xf32, #tpu.memory_space<vmem>>) target_semaphore(%arg13 : memref<!tpu.dma_semaphore, #tpu.memory_space<semaphore_mem>>)
        %slice3A_449 = vector.extract_strided_slice %get3A_47 {offsets = [10], sizes = [1], strides = [1]} : vector<16xi32> to vector<1xi32>
        %squeeze3A_450 = vector.extract %slice3A_449[0] : i32 from vector<1xi32>
        %slice3A_451 = vector.extract_strided_slice %get3A_53 {offsets = [10], sizes = [1], strides = [1]} : vector<16xi32> to vector<1xi32>
        %squeeze3A_452 = vector.extract %slice3A_451[0] : i32 from vector<1xi32>
        %mul3A_453 = arith.constant 16 : i32
        %mul3A_454 = arith.muli %add3A_42, %mul3A_453 : i32
        %add3A_455 = arith.constant 10 : i32
        %add3A_456 = arith.addi %mul3A_454, %add3A_455 : i32
        %shift_right_logical3A_457 = arith.constant 3 : i32
        %shift_right_logical3A_458 = arith.shrui %squeeze3A_450, %shift_right_logical3A_457 : i32
        %and3A_459 = arith.constant 7 : i32
        %and3A_460 = arith.andi %squeeze3A_450, %and3A_459 : i32
        %dma_start3A_461 = arith.constant 0 : i32
        %dma_start3A_462 = tpu.memref_slice %arg10[%add3A_456, %dma_start3A_461] : memref<256x32xf32, #tpu.memory_space<vmem>> -> memref<1x32xf32, #tpu.memory_space<vmem>>
        %dma_start3A_463 = tpu.memref_squeeze %dma_start3A_462 : memref<1x32xf32, #tpu.memory_space<vmem>> -> memref<32xf32, #tpu.memory_space<vmem>>
        %dma_start3A_464 = arith.constant 0 : i32
        %dma_start3A_465 = tpu.memref_slice %arg4[%shift_right_logical3A_458, %and3A_460, %dma_start3A_464] : memref<125000x8x32xf32, #tpu.memory_space<hbm>> -> memref<1x1x32xf32, #tpu.memory_space<hbm>>
        %dma_start3A_466 = tpu.memref_squeeze %dma_start3A_465 : memref<1x1x32xf32, #tpu.memory_space<hbm>> -> memref<32xf32, #tpu.memory_space<hbm>>
        %dma_start3A_467 = arith.constant 0 : i32
        %dma_start3A_468 = tpu.memref_slice %arg10[%add3A_456, %dma_start3A_467] : memref<256x32xf32, #tpu.memory_space<vmem>> -> memref<1x32xf32, #tpu.memory_space<vmem>>
        %dma_start3A_469 = tpu.memref_squeeze %dma_start3A_468 : memref<1x32xf32, #tpu.memory_space<vmem>> -> memref<32xf32, #tpu.memory_space<vmem>>
        %dma_start3A_470 = arith.constant 0 : i32
        %dma_start3A_471 = tpu.memref_slice %arg4[%shift_right_logical3A_458, %and3A_460, %dma_start3A_470] : memref<125000x8x32xf32, #tpu.memory_space<hbm>> -> memref<1x1x32xf32, #tpu.memory_space<hbm>>
        %dma_start3A_472 = tpu.memref_squeeze %dma_start3A_471 : memref<1x1x32xf32, #tpu.memory_space<hbm>> -> memref<32xf32, #tpu.memory_space<hbm>>
        tpu.enqueue_dma source(%dma_start3A_472 : memref<32xf32, #tpu.memory_space<hbm>>) target(%dma_start3A_469 : memref<32xf32, #tpu.memory_space<vmem>>) target_semaphore(%arg12 : memref<!tpu.dma_semaphore, #tpu.memory_space<semaphore_mem>>)
        %shift_right_logical3A_473 = arith.constant 3 : i32
        %shift_right_logical3A_474 = arith.shrui %squeeze3A_452, %shift_right_logical3A_473 : i32
        %and3A_475 = arith.constant 7 : i32
        %and3A_476 = arith.andi %squeeze3A_452, %and3A_475 : i32
        %dma_start3A_477 = arith.constant 0 : i32
        %dma_start3A_478 = tpu.memref_slice %arg11[%add3A_456, %dma_start3A_477] : memref<256x32xf32, #tpu.memory_space<vmem>> -> memref<1x32xf32, #tpu.memory_space<vmem>>
        %dma_start3A_479 = tpu.memref_squeeze %dma_start3A_478 : memref<1x32xf32, #tpu.memory_space<vmem>> -> memref<32xf32, #tpu.memory_space<vmem>>
        %dma_start3A_480 = arith.constant 0 : i32
        %dma_start3A_481 = tpu.memref_slice %arg5[%shift_right_logical3A_474, %and3A_476, %dma_start3A_480] : memref<125000x8x32xf32, #tpu.memory_space<hbm>> -> memref<1x1x32xf32, #tpu.memory_space<hbm>>
        %dma_start3A_482 = tpu.memref_squeeze %dma_start3A_481 : memref<1x1x32xf32, #tpu.memory_space<hbm>> -> memref<32xf32, #tpu.memory_space<hbm>>
        %dma_start3A_483 = arith.constant 0 : i32
        %dma_start3A_484 = tpu.memref_slice %arg11[%add3A_456, %dma_start3A_483] : memref<256x32xf32, #tpu.memory_space<vmem>> -> memref<1x32xf32, #tpu.memory_space<vmem>>
        %dma_start3A_485 = tpu.memref_squeeze %dma_start3A_484 : memref<1x32xf32, #tpu.memory_space<vmem>> -> memref<32xf32, #tpu.memory_space<vmem>>
        %dma_start3A_486 = arith.constant 0 : i32
        %dma_start3A_487 = tpu.memref_slice %arg5[%shift_right_logical3A_474, %and3A_476, %dma_start3A_486] : memref<125000x8x32xf32, #tpu.memory_space<hbm>> -> memref<1x1x32xf32, #tpu.memory_space<hbm>>
        %dma_start3A_488 = tpu.memref_squeeze %dma_start3A_487 : memref<1x1x32xf32, #tpu.memory_space<hbm>> -> memref<32xf32, #tpu.memory_space<hbm>>
        tpu.enqueue_dma source(%dma_start3A_488 : memref<32xf32, #tpu.memory_space<hbm>>) target(%dma_start3A_485 : memref<32xf32, #tpu.memory_space<vmem>>) target_semaphore(%arg13 : memref<!tpu.dma_semaphore, #tpu.memory_space<semaphore_mem>>)
        %slice3A_489 = vector.extract_strided_slice %get3A_47 {offsets = [11], sizes = [1], strides = [1]} : vector<16xi32> to vector<1xi32>
        %squeeze3A_490 = vector.extract %slice3A_489[0] : i32 from vector<1xi32>
        %slice3A_491 = vector.extract_strided_slice %get3A_53 {offsets = [11], sizes = [1], strides = [1]} : vector<16xi32> to vector<1xi32>
        %squeeze3A_492 = vector.extract %slice3A_491[0] : i32 from vector<1xi32>
        %mul3A_493 = arith.constant 16 : i32
        %mul3A_494 = arith.muli %add3A_42, %mul3A_493 : i32
        %add3A_495 = arith.constant 11 : i32
        %add3A_496 = arith.addi %mul3A_494, %add3A_495 : i32
        %shift_right_logical3A_497 = arith.constant 3 : i32
        %shift_right_logical3A_498 = arith.shrui %squeeze3A_490, %shift_right_logical3A_497 : i32
        %and3A_499 = arith.constant 7 : i32
        %and3A_500 = arith.andi %squeeze3A_490, %and3A_499 : i32
        %dma_start3A_501 = arith.constant 0 : i32
        %dma_start3A_502 = tpu.memref_slice %arg10[%add3A_496, %dma_start3A_501] : memref<256x32xf32, #tpu.memory_space<vmem>> -> memref<1x32xf32, #tpu.memory_space<vmem>>
        %dma_start3A_503 = tpu.memref_squeeze %dma_start3A_502 : memref<1x32xf32, #tpu.memory_space<vmem>> -> memref<32xf32, #tpu.memory_space<vmem>>
        %dma_start3A_504 = arith.constant 0 : i32
        %dma_start3A_505 = tpu.memref_slice %arg4[%shift_right_logical3A_498, %and3A_500, %dma_start3A_504] : memref<125000x8x32xf32, #tpu.memory_space<hbm>> -> memref<1x1x32xf32, #tpu.memory_space<hbm>>
        %dma_start3A_506 = tpu.memref_squeeze %dma_start3A_505 : memref<1x1x32xf32, #tpu.memory_space<hbm>> -> memref<32xf32, #tpu.memory_space<hbm>>
        %dma_start3A_507 = arith.constant 0 : i32
        %dma_start3A_508 = tpu.memref_slice %arg10[%add3A_496, %dma_start3A_507] : memref<256x32xf32, #tpu.memory_space<vmem>> -> memref<1x32xf32, #tpu.memory_space<vmem>>
        %dma_start3A_509 = tpu.memref_squeeze %dma_start3A_508 : memref<1x32xf32, #tpu.memory_space<vmem>> -> memref<32xf32, #tpu.memory_space<vmem>>
        %dma_start3A_510 = arith.constant 0 : i32
        %dma_start3A_511 = tpu.memref_slice %arg4[%shift_right_logical3A_498, %and3A_500, %dma_start3A_510] : memref<125000x8x32xf32, #tpu.memory_space<hbm>> -> memref<1x1x32xf32, #tpu.memory_space<hbm>>
        %dma_start3A_512 = tpu.memref_squeeze %dma_start3A_511 : memref<1x1x32xf32, #tpu.memory_space<hbm>> -> memref<32xf32, #tpu.memory_space<hbm>>
        tpu.enqueue_dma source(%dma_start3A_512 : memref<32xf32, #tpu.memory_space<hbm>>) target(%dma_start3A_509 : memref<32xf32, #tpu.memory_space<vmem>>) target_semaphore(%arg12 : memref<!tpu.dma_semaphore, #tpu.memory_space<semaphore_mem>>)
        %shift_right_logical3A_513 = arith.constant 3 : i32
        %shift_right_logical3A_514 = arith.shrui %squeeze3A_492, %shift_right_logical3A_513 : i32
        %and3A_515 = arith.constant 7 : i32
        %and3A_516 = arith.andi %squeeze3A_492, %and3A_515 : i32
        %dma_start3A_517 = arith.constant 0 : i32
        %dma_start3A_518 = tpu.memref_slice %arg11[%add3A_496, %dma_start3A_517] : memref<256x32xf32, #tpu.memory_space<vmem>> -> memref<1x32xf32, #tpu.memory_space<vmem>>
        %dma_start3A_519 = tpu.memref_squeeze %dma_start3A_518 : memref<1x32xf32, #tpu.memory_space<vmem>> -> memref<32xf32, #tpu.memory_space<vmem>>
        %dma_start3A_520 = arith.constant 0 : i32
        %dma_start3A_521 = tpu.memref_slice %arg5[%shift_right_logical3A_514, %and3A_516, %dma_start3A_520] : memref<125000x8x32xf32, #tpu.memory_space<hbm>> -> memref<1x1x32xf32, #tpu.memory_space<hbm>>
        %dma_start3A_522 = tpu.memref_squeeze %dma_start3A_521 : memref<1x1x32xf32, #tpu.memory_space<hbm>> -> memref<32xf32, #tpu.memory_space<hbm>>
        %dma_start3A_523 = arith.constant 0 : i32
        %dma_start3A_524 = tpu.memref_slice %arg11[%add3A_496, %dma_start3A_523] : memref<256x32xf32, #tpu.memory_space<vmem>> -> memref<1x32xf32, #tpu.memory_space<vmem>>
        %dma_start3A_525 = tpu.memref_squeeze %dma_start3A_524 : memref<1x32xf32, #tpu.memory_space<vmem>> -> memref<32xf32, #tpu.memory_space<vmem>>
        %dma_start3A_526 = arith.constant 0 : i32
        %dma_start3A_527 = tpu.memref_slice %arg5[%shift_right_logical3A_514, %and3A_516, %dma_start3A_526] : memref<125000x8x32xf32, #tpu.memory_space<hbm>> -> memref<1x1x32xf32, #tpu.memory_space<hbm>>
        %dma_start3A_528 = tpu.memref_squeeze %dma_start3A_527 : memref<1x1x32xf32, #tpu.memory_space<hbm>> -> memref<32xf32, #tpu.memory_space<hbm>>
        tpu.enqueue_dma source(%dma_start3A_528 : memref<32xf32, #tpu.memory_space<hbm>>) target(%dma_start3A_525 : memref<32xf32, #tpu.memory_space<vmem>>) target_semaphore(%arg13 : memref<!tpu.dma_semaphore, #tpu.memory_space<semaphore_mem>>)
        %slice3A_529 = vector.extract_strided_slice %get3A_47 {offsets = [12], sizes = [1], strides = [1]} : vector<16xi32> to vector<1xi32>
        %squeeze3A_530 = vector.extract %slice3A_529[0] : i32 from vector<1xi32>
        %slice3A_531 = vector.extract_strided_slice %get3A_53 {offsets = [12], sizes = [1], strides = [1]} : vector<16xi32> to vector<1xi32>
        %squeeze3A_532 = vector.extract %slice3A_531[0] : i32 from vector<1xi32>
        %mul3A_533 = arith.constant 16 : i32
        %mul3A_534 = arith.muli %add3A_42, %mul3A_533 : i32
        %add3A_535 = arith.constant 12 : i32
        %add3A_536 = arith.addi %mul3A_534, %add3A_535 : i32
        %shift_right_logical3A_537 = arith.constant 3 : i32
        %shift_right_logical3A_538 = arith.shrui %squeeze3A_530, %shift_right_logical3A_537 : i32
        %and3A_539 = arith.constant 7 : i32
        %and3A_540 = arith.andi %squeeze3A_530, %and3A_539 : i32
        %dma_start3A_541 = arith.constant 0 : i32
        %dma_start3A_542 = tpu.memref_slice %arg10[%add3A_536, %dma_start3A_541] : memref<256x32xf32, #tpu.memory_space<vmem>> -> memref<1x32xf32, #tpu.memory_space<vmem>>
        %dma_start3A_543 = tpu.memref_squeeze %dma_start3A_542 : memref<1x32xf32, #tpu.memory_space<vmem>> -> memref<32xf32, #tpu.memory_space<vmem>>
        %dma_start3A_544 = arith.constant 0 : i32
        %dma_start3A_545 = tpu.memref_slice %arg4[%shift_right_logical3A_538, %and3A_540, %dma_start3A_544] : memref<125000x8x32xf32, #tpu.memory_space<hbm>> -> memref<1x1x32xf32, #tpu.memory_space<hbm>>
        %dma_start3A_546 = tpu.memref_squeeze %dma_start3A_545 : memref<1x1x32xf32, #tpu.memory_space<hbm>> -> memref<32xf32, #tpu.memory_space<hbm>>
        %dma_start3A_547 = arith.constant 0 : i32
        %dma_start3A_548 = tpu.memref_slice %arg10[%add3A_536, %dma_start3A_547] : memref<256x32xf32, #tpu.memory_space<vmem>> -> memref<1x32xf32, #tpu.memory_space<vmem>>
        %dma_start3A_549 = tpu.memref_squeeze %dma_start3A_548 : memref<1x32xf32, #tpu.memory_space<vmem>> -> memref<32xf32, #tpu.memory_space<vmem>>
        %dma_start3A_550 = arith.constant 0 : i32
        %dma_start3A_551 = tpu.memref_slice %arg4[%shift_right_logical3A_538, %and3A_540, %dma_start3A_550] : memref<125000x8x32xf32, #tpu.memory_space<hbm>> -> memref<1x1x32xf32, #tpu.memory_space<hbm>>
        %dma_start3A_552 = tpu.memref_squeeze %dma_start3A_551 : memref<1x1x32xf32, #tpu.memory_space<hbm>> -> memref<32xf32, #tpu.memory_space<hbm>>
        tpu.enqueue_dma source(%dma_start3A_552 : memref<32xf32, #tpu.memory_space<hbm>>) target(%dma_start3A_549 : memref<32xf32, #tpu.memory_space<vmem>>) target_semaphore(%arg12 : memref<!tpu.dma_semaphore, #tpu.memory_space<semaphore_mem>>)
        %shift_right_logical3A_553 = arith.constant 3 : i32
        %shift_right_logical3A_554 = arith.shrui %squeeze3A_532, %shift_right_logical3A_553 : i32
        %and3A_555 = arith.constant 7 : i32
        %and3A_556 = arith.andi %squeeze3A_532, %and3A_555 : i32
        %dma_start3A_557 = arith.constant 0 : i32
        %dma_start3A_558 = tpu.memref_slice %arg11[%add3A_536, %dma_start3A_557] : memref<256x32xf32, #tpu.memory_space<vmem>> -> memref<1x32xf32, #tpu.memory_space<vmem>>
        %dma_start3A_559 = tpu.memref_squeeze %dma_start3A_558 : memref<1x32xf32, #tpu.memory_space<vmem>> -> memref<32xf32, #tpu.memory_space<vmem>>
        %dma_start3A_560 = arith.constant 0 : i32
        %dma_start3A_561 = tpu.memref_slice %arg5[%shift_right_logical3A_554, %and3A_556, %dma_start3A_560] : memref<125000x8x32xf32, #tpu.memory_space<hbm>> -> memref<1x1x32xf32, #tpu.memory_space<hbm>>
        %dma_start3A_562 = tpu.memref_squeeze %dma_start3A_561 : memref<1x1x32xf32, #tpu.memory_space<hbm>> -> memref<32xf32, #tpu.memory_space<hbm>>
        %dma_start3A_563 = arith.constant 0 : i32
        %dma_start3A_564 = tpu.memref_slice %arg11[%add3A_536, %dma_start3A_563] : memref<256x32xf32, #tpu.memory_space<vmem>> -> memref<1x32xf32, #tpu.memory_space<vmem>>
        %dma_start3A_565 = tpu.memref_squeeze %dma_start3A_564 : memref<1x32xf32, #tpu.memory_space<vmem>> -> memref<32xf32, #tpu.memory_space<vmem>>
        %dma_start3A_566 = arith.constant 0 : i32
        %dma_start3A_567 = tpu.memref_slice %arg5[%shift_right_logical3A_554, %and3A_556, %dma_start3A_566] : memref<125000x8x32xf32, #tpu.memory_space<hbm>> -> memref<1x1x32xf32, #tpu.memory_space<hbm>>
        %dma_start3A_568 = tpu.memref_squeeze %dma_start3A_567 : memref<1x1x32xf32, #tpu.memory_space<hbm>> -> memref<32xf32, #tpu.memory_space<hbm>>
        tpu.enqueue_dma source(%dma_start3A_568 : memref<32xf32, #tpu.memory_space<hbm>>) target(%dma_start3A_565 : memref<32xf32, #tpu.memory_space<vmem>>) target_semaphore(%arg13 : memref<!tpu.dma_semaphore, #tpu.memory_space<semaphore_mem>>)
        %slice3A_569 = vector.extract_strided_slice %get3A_47 {offsets = [13], sizes = [1], strides = [1]} : vector<16xi32> to vector<1xi32>
        %squeeze3A_570 = vector.extract %slice3A_569[0] : i32 from vector<1xi32>
        %slice3A_571 = vector.extract_strided_slice %get3A_53 {offsets = [13], sizes = [1], strides = [1]} : vector<16xi32> to vector<1xi32>
        %squeeze3A_572 = vector.extract %slice3A_571[0] : i32 from vector<1xi32>
        %mul3A_573 = arith.constant 16 : i32
        %mul3A_574 = arith.muli %add3A_42, %mul3A_573 : i32
        %add3A_575 = arith.constant 13 : i32
        %add3A_576 = arith.addi %mul3A_574, %add3A_575 : i32
        %shift_right_logical3A_577 = arith.constant 3 : i32
        %shift_right_logical3A_578 = arith.shrui %squeeze3A_570, %shift_right_logical3A_577 : i32
        %and3A_579 = arith.constant 7 : i32
        %and3A_580 = arith.andi %squeeze3A_570, %and3A_579 : i32
        %dma_start3A_581 = arith.constant 0 : i32
        %dma_start3A_582 = tpu.memref_slice %arg10[%add3A_576, %dma_start3A_581] : memref<256x32xf32, #tpu.memory_space<vmem>> -> memref<1x32xf32, #tpu.memory_space<vmem>>
        %dma_start3A_583 = tpu.memref_squeeze %dma_start3A_582 : memref<1x32xf32, #tpu.memory_space<vmem>> -> memref<32xf32, #tpu.memory_space<vmem>>
        %dma_start3A_584 = arith.constant 0 : i32
        %dma_start3A_585 = tpu.memref_slice %arg4[%shift_right_logical3A_578, %and3A_580, %dma_start3A_584] : memref<125000x8x32xf32, #tpu.memory_space<hbm>> -> memref<1x1x32xf32, #tpu.memory_space<hbm>>
        %dma_start3A_586 = tpu.memref_squeeze %dma_start3A_585 : memref<1x1x32xf32, #tpu.memory_space<hbm>> -> memref<32xf32, #tpu.memory_space<hbm>>
        %dma_start3A_587 = arith.constant 0 : i32
        %dma_start3A_588 = tpu.memref_slice %arg10[%add3A_576, %dma_start3A_587] : memref<256x32xf32, #tpu.memory_space<vmem>> -> memref<1x32xf32, #tpu.memory_space<vmem>>
        %dma_start3A_589 = tpu.memref_squeeze %dma_start3A_588 : memref<1x32xf32, #tpu.memory_space<vmem>> -> memref<32xf32, #tpu.memory_space<vmem>>
        %dma_start3A_590 = arith.constant 0 : i32
        %dma_start3A_591 = tpu.memref_slice %arg4[%shift_right_logical3A_578, %and3A_580, %dma_start3A_590] : memref<125000x8x32xf32, #tpu.memory_space<hbm>> -> memref<1x1x32xf32, #tpu.memory_space<hbm>>
        %dma_start3A_592 = tpu.memref_squeeze %dma_start3A_591 : memref<1x1x32xf32, #tpu.memory_space<hbm>> -> memref<32xf32, #tpu.memory_space<hbm>>
        tpu.enqueue_dma source(%dma_start3A_592 : memref<32xf32, #tpu.memory_space<hbm>>) target(%dma_start3A_589 : memref<32xf32, #tpu.memory_space<vmem>>) target_semaphore(%arg12 : memref<!tpu.dma_semaphore, #tpu.memory_space<semaphore_mem>>)
        %shift_right_logical3A_593 = arith.constant 3 : i32
        %shift_right_logical3A_594 = arith.shrui %squeeze3A_572, %shift_right_logical3A_593 : i32
        %and3A_595 = arith.constant 7 : i32
        %and3A_596 = arith.andi %squeeze3A_572, %and3A_595 : i32
        %dma_start3A_597 = arith.constant 0 : i32
        %dma_start3A_598 = tpu.memref_slice %arg11[%add3A_576, %dma_start3A_597] : memref<256x32xf32, #tpu.memory_space<vmem>> -> memref<1x32xf32, #tpu.memory_space<vmem>>
        %dma_start3A_599 = tpu.memref_squeeze %dma_start3A_598 : memref<1x32xf32, #tpu.memory_space<vmem>> -> memref<32xf32, #tpu.memory_space<vmem>>
        %dma_start3A_600 = arith.constant 0 : i32
        %dma_start3A_601 = tpu.memref_slice %arg5[%shift_right_logical3A_594, %and3A_596, %dma_start3A_600] : memref<125000x8x32xf32, #tpu.memory_space<hbm>> -> memref<1x1x32xf32, #tpu.memory_space<hbm>>
        %dma_start3A_602 = tpu.memref_squeeze %dma_start3A_601 : memref<1x1x32xf32, #tpu.memory_space<hbm>> -> memref<32xf32, #tpu.memory_space<hbm>>
        %dma_start3A_603 = arith.constant 0 : i32
        %dma_start3A_604 = tpu.memref_slice %arg11[%add3A_576, %dma_start3A_603] : memref<256x32xf32, #tpu.memory_space<vmem>> -> memref<1x32xf32, #tpu.memory_space<vmem>>
        %dma_start3A_605 = tpu.memref_squeeze %dma_start3A_604 : memref<1x32xf32, #tpu.memory_space<vmem>> -> memref<32xf32, #tpu.memory_space<vmem>>
        %dma_start3A_606 = arith.constant 0 : i32
        %dma_start3A_607 = tpu.memref_slice %arg5[%shift_right_logical3A_594, %and3A_596, %dma_start3A_606] : memref<125000x8x32xf32, #tpu.memory_space<hbm>> -> memref<1x1x32xf32, #tpu.memory_space<hbm>>
        %dma_start3A_608 = tpu.memref_squeeze %dma_start3A_607 : memref<1x1x32xf32, #tpu.memory_space<hbm>> -> memref<32xf32, #tpu.memory_space<hbm>>
        tpu.enqueue_dma source(%dma_start3A_608 : memref<32xf32, #tpu.memory_space<hbm>>) target(%dma_start3A_605 : memref<32xf32, #tpu.memory_space<vmem>>) target_semaphore(%arg13 : memref<!tpu.dma_semaphore, #tpu.memory_space<semaphore_mem>>)
        %slice3A_609 = vector.extract_strided_slice %get3A_47 {offsets = [14], sizes = [1], strides = [1]} : vector<16xi32> to vector<1xi32>
        %squeeze3A_610 = vector.extract %slice3A_609[0] : i32 from vector<1xi32>
        %slice3A_611 = vector.extract_strided_slice %get3A_53 {offsets = [14], sizes = [1], strides = [1]} : vector<16xi32> to vector<1xi32>
        %squeeze3A_612 = vector.extract %slice3A_611[0] : i32 from vector<1xi32>
        %mul3A_613 = arith.constant 16 : i32
        %mul3A_614 = arith.muli %add3A_42, %mul3A_613 : i32
        %add3A_615 = arith.constant 14 : i32
        %add3A_616 = arith.addi %mul3A_614, %add3A_615 : i32
        %shift_right_logical3A_617 = arith.constant 3 : i32
        %shift_right_logical3A_618 = arith.shrui %squeeze3A_610, %shift_right_logical3A_617 : i32
        %and3A_619 = arith.constant 7 : i32
        %and3A_620 = arith.andi %squeeze3A_610, %and3A_619 : i32
        %dma_start3A_621 = arith.constant 0 : i32
        %dma_start3A_622 = tpu.memref_slice %arg10[%add3A_616, %dma_start3A_621] : memref<256x32xf32, #tpu.memory_space<vmem>> -> memref<1x32xf32, #tpu.memory_space<vmem>>
        %dma_start3A_623 = tpu.memref_squeeze %dma_start3A_622 : memref<1x32xf32, #tpu.memory_space<vmem>> -> memref<32xf32, #tpu.memory_space<vmem>>
        %dma_start3A_624 = arith.constant 0 : i32
        %dma_start3A_625 = tpu.memref_slice %arg4[%shift_right_logical3A_618, %and3A_620, %dma_start3A_624] : memref<125000x8x32xf32, #tpu.memory_space<hbm>> -> memref<1x1x32xf32, #tpu.memory_space<hbm>>
        %dma_start3A_626 = tpu.memref_squeeze %dma_start3A_625 : memref<1x1x32xf32, #tpu.memory_space<hbm>> -> memref<32xf32, #tpu.memory_space<hbm>>
        %dma_start3A_627 = arith.constant 0 : i32
        %dma_start3A_628 = tpu.memref_slice %arg10[%add3A_616, %dma_start3A_627] : memref<256x32xf32, #tpu.memory_space<vmem>> -> memref<1x32xf32, #tpu.memory_space<vmem>>
        %dma_start3A_629 = tpu.memref_squeeze %dma_start3A_628 : memref<1x32xf32, #tpu.memory_space<vmem>> -> memref<32xf32, #tpu.memory_space<vmem>>
        %dma_start3A_630 = arith.constant 0 : i32
        %dma_start3A_631 = tpu.memref_slice %arg4[%shift_right_logical3A_618, %and3A_620, %dma_start3A_630] : memref<125000x8x32xf32, #tpu.memory_space<hbm>> -> memref<1x1x32xf32, #tpu.memory_space<hbm>>
        %dma_start3A_632 = tpu.memref_squeeze %dma_start3A_631 : memref<1x1x32xf32, #tpu.memory_space<hbm>> -> memref<32xf32, #tpu.memory_space<hbm>>
        tpu.enqueue_dma source(%dma_start3A_632 : memref<32xf32, #tpu.memory_space<hbm>>) target(%dma_start3A_629 : memref<32xf32, #tpu.memory_space<vmem>>) target_semaphore(%arg12 : memref<!tpu.dma_semaphore, #tpu.memory_space<semaphore_mem>>)
        %shift_right_logical3A_633 = arith.constant 3 : i32
        %shift_right_logical3A_634 = arith.shrui %squeeze3A_612, %shift_right_logical3A_633 : i32
        %and3A_635 = arith.constant 7 : i32
        %and3A_636 = arith.andi %squeeze3A_612, %and3A_635 : i32
        %dma_start3A_637 = arith.constant 0 : i32
        %dma_start3A_638 = tpu.memref_slice %arg11[%add3A_616, %dma_start3A_637] : memref<256x32xf32, #tpu.memory_space<vmem>> -> memref<1x32xf32, #tpu.memory_space<vmem>>
        %dma_start3A_639 = tpu.memref_squeeze %dma_start3A_638 : memref<1x32xf32, #tpu.memory_space<vmem>> -> memref<32xf32, #tpu.memory_space<vmem>>
        %dma_start3A_640 = arith.constant 0 : i32
        %dma_start3A_641 = tpu.memref_slice %arg5[%shift_right_logical3A_634, %and3A_636, %dma_start3A_640] : memref<125000x8x32xf32, #tpu.memory_space<hbm>> -> memref<1x1x32xf32, #tpu.memory_space<hbm>>
        %dma_start3A_642 = tpu.memref_squeeze %dma_start3A_641 : memref<1x1x32xf32, #tpu.memory_space<hbm>> -> memref<32xf32, #tpu.memory_space<hbm>>
        %dma_start3A_643 = arith.constant 0 : i32
        %dma_start3A_644 = tpu.memref_slice %arg11[%add3A_616, %dma_start3A_643] : memref<256x32xf32, #tpu.memory_space<vmem>> -> memref<1x32xf32, #tpu.memory_space<vmem>>
        %dma_start3A_645 = tpu.memref_squeeze %dma_start3A_644 : memref<1x32xf32, #tpu.memory_space<vmem>> -> memref<32xf32, #tpu.memory_space<vmem>>
        %dma_start3A_646 = arith.constant 0 : i32
        %dma_start3A_647 = tpu.memref_slice %arg5[%shift_right_logical3A_634, %and3A_636, %dma_start3A_646] : memref<125000x8x32xf32, #tpu.memory_space<hbm>> -> memref<1x1x32xf32, #tpu.memory_space<hbm>>
        %dma_start3A_648 = tpu.memref_squeeze %dma_start3A_647 : memref<1x1x32xf32, #tpu.memory_space<hbm>> -> memref<32xf32, #tpu.memory_space<hbm>>
        tpu.enqueue_dma source(%dma_start3A_648 : memref<32xf32, #tpu.memory_space<hbm>>) target(%dma_start3A_645 : memref<32xf32, #tpu.memory_space<vmem>>) target_semaphore(%arg13 : memref<!tpu.dma_semaphore, #tpu.memory_space<semaphore_mem>>)
        %slice3A_649 = vector.extract_strided_slice %get3A_47 {offsets = [15], sizes = [1], strides = [1]} : vector<16xi32> to vector<1xi32>
        %squeeze3A_650 = vector.extract %slice3A_649[0] : i32 from vector<1xi32>
        %slice3A_651 = vector.extract_strided_slice %get3A_53 {offsets = [15], sizes = [1], strides = [1]} : vector<16xi32> to vector<1xi32>
        %squeeze3A_652 = vector.extract %slice3A_651[0] : i32 from vector<1xi32>
        %mul3A_653 = arith.constant 16 : i32
        %mul3A_654 = arith.muli %add3A_42, %mul3A_653 : i32
        %add3A_655 = arith.constant 15 : i32
        %add3A_656 = arith.addi %mul3A_654, %add3A_655 : i32
        %shift_right_logical3A_657 = arith.constant 3 : i32
        %shift_right_logical3A_658 = arith.shrui %squeeze3A_650, %shift_right_logical3A_657 : i32
        %and3A_659 = arith.constant 7 : i32
        %and3A_660 = arith.andi %squeeze3A_650, %and3A_659 : i32
        %dma_start3A_661 = arith.constant 0 : i32
        %dma_start3A_662 = tpu.memref_slice %arg10[%add3A_656, %dma_start3A_661] : memref<256x32xf32, #tpu.memory_space<vmem>> -> memref<1x32xf32, #tpu.memory_space<vmem>>
        %dma_start3A_663 = tpu.memref_squeeze %dma_start3A_662 : memref<1x32xf32, #tpu.memory_space<vmem>> -> memref<32xf32, #tpu.memory_space<vmem>>
        %dma_start3A_664 = arith.constant 0 : i32
        %dma_start3A_665 = tpu.memref_slice %arg4[%shift_right_logical3A_658, %and3A_660, %dma_start3A_664] : memref<125000x8x32xf32, #tpu.memory_space<hbm>> -> memref<1x1x32xf32, #tpu.memory_space<hbm>>
        %dma_start3A_666 = tpu.memref_squeeze %dma_start3A_665 : memref<1x1x32xf32, #tpu.memory_space<hbm>> -> memref<32xf32, #tpu.memory_space<hbm>>
        %dma_start3A_667 = arith.constant 0 : i32
        %dma_start3A_668 = tpu.memref_slice %arg10[%add3A_656, %dma_start3A_667] : memref<256x32xf32, #tpu.memory_space<vmem>> -> memref<1x32xf32, #tpu.memory_space<vmem>>
        %dma_start3A_669 = tpu.memref_squeeze %dma_start3A_668 : memref<1x32xf32, #tpu.memory_space<vmem>> -> memref<32xf32, #tpu.memory_space<vmem>>
        %dma_start3A_670 = arith.constant 0 : i32
        %dma_start3A_671 = tpu.memref_slice %arg4[%shift_right_logical3A_658, %and3A_660, %dma_start3A_670] : memref<125000x8x32xf32, #tpu.memory_space<hbm>> -> memref<1x1x32xf32, #tpu.memory_space<hbm>>
        %dma_start3A_672 = tpu.memref_squeeze %dma_start3A_671 : memref<1x1x32xf32, #tpu.memory_space<hbm>> -> memref<32xf32, #tpu.memory_space<hbm>>
        tpu.enqueue_dma source(%dma_start3A_672 : memref<32xf32, #tpu.memory_space<hbm>>) target(%dma_start3A_669 : memref<32xf32, #tpu.memory_space<vmem>>) target_semaphore(%arg12 : memref<!tpu.dma_semaphore, #tpu.memory_space<semaphore_mem>>)
        %shift_right_logical3A_673 = arith.constant 3 : i32
        %shift_right_logical3A_674 = arith.shrui %squeeze3A_652, %shift_right_logical3A_673 : i32
        %and3A_675 = arith.constant 7 : i32
        %and3A_676 = arith.andi %squeeze3A_652, %and3A_675 : i32
        %dma_start3A_677 = arith.constant 0 : i32
        %dma_start3A_678 = tpu.memref_slice %arg11[%add3A_656, %dma_start3A_677] : memref<256x32xf32, #tpu.memory_space<vmem>> -> memref<1x32xf32, #tpu.memory_space<vmem>>
        %dma_start3A_679 = tpu.memref_squeeze %dma_start3A_678 : memref<1x32xf32, #tpu.memory_space<vmem>> -> memref<32xf32, #tpu.memory_space<vmem>>
        %dma_start3A_680 = arith.constant 0 : i32
        %dma_start3A_681 = tpu.memref_slice %arg5[%shift_right_logical3A_674, %and3A_676, %dma_start3A_680] : memref<125000x8x32xf32, #tpu.memory_space<hbm>> -> memref<1x1x32xf32, #tpu.memory_space<hbm>>
        %dma_start3A_682 = tpu.memref_squeeze %dma_start3A_681 : memref<1x1x32xf32, #tpu.memory_space<hbm>> -> memref<32xf32, #tpu.memory_space<hbm>>
        %dma_start3A_683 = arith.constant 0 : i32
        %dma_start3A_684 = tpu.memref_slice %arg11[%add3A_656, %dma_start3A_683] : memref<256x32xf32, #tpu.memory_space<vmem>> -> memref<1x32xf32, #tpu.memory_space<vmem>>
        %dma_start3A_685 = tpu.memref_squeeze %dma_start3A_684 : memref<1x32xf32, #tpu.memory_space<vmem>> -> memref<32xf32, #tpu.memory_space<vmem>>
        %dma_start3A_686 = arith.constant 0 : i32
        %dma_start3A_687 = tpu.memref_slice %arg5[%shift_right_logical3A_674, %and3A_676, %dma_start3A_686] : memref<125000x8x32xf32, #tpu.memory_space<hbm>> -> memref<1x1x32xf32, #tpu.memory_space<hbm>>
        %dma_start3A_688 = tpu.memref_squeeze %dma_start3A_687 : memref<1x1x32xf32, #tpu.memory_space<hbm>> -> memref<32xf32, #tpu.memory_space<hbm>>
        tpu.enqueue_dma source(%dma_start3A_688 : memref<32xf32, #tpu.memory_space<hbm>>) target(%dma_start3A_685 : memref<32xf32, #tpu.memory_space<vmem>>) target_semaphore(%arg13 : memref<!tpu.dma_semaphore, #tpu.memory_space<semaphore_mem>>)
      }
      %scan3A_18 = arith.constant 16 : i32
      %dma_wait3A = arith.constant 0 : i32
      %dma_wait3A_19 = arith.constant 0 : i32
      %dma_wait3A_20 = arith.constant 0 : i32
      %dma_wait3A_21 = tpu.memref_slice %arg4[%dma_wait3A, %dma_wait3A_19, %dma_wait3A_20] : memref<125000x8x32xf32, #tpu.memory_space<hbm>> -> memref<1x8x32xf32, #tpu.memory_space<hbm>>
      %dma_wait3A_22 = tpu.memref_squeeze %dma_wait3A_21 : memref<1x8x32xf32, #tpu.memory_space<hbm>> -> memref<8x32xf32, #tpu.memory_space<hbm>>
      %dma_wait3A_23 = arith.constant 0 : i32
      %dma_wait3A_24 = arith.constant 0 : i32
      %dma_wait3A_25 = tpu.memref_slice %arg4[%dma_wait3A, %dma_wait3A_23, %dma_wait3A_24] : memref<125000x8x32xf32, #tpu.memory_space<hbm>> -> memref<1x8x32xf32, #tpu.memory_space<hbm>>
      %dma_wait3A_26 = tpu.memref_squeeze %dma_wait3A_25 : memref<1x8x32xf32, #tpu.memory_space<hbm>> -> memref<8x32xf32, #tpu.memory_space<hbm>>
      tpu.wait_dma2 semaphore(%arg12 : memref<!tpu.dma_semaphore, #tpu.memory_space<semaphore_mem>>) src(%dma_wait3A_26 : memref<8x32xf32, #tpu.memory_space<hbm>>) dst(%arg10 : memref<256x32xf32, #tpu.memory_space<vmem>>)
      %dma_wait3A_27 = arith.constant 0 : i32
      %dma_wait3A_28 = arith.constant 0 : i32
      %dma_wait3A_29 = arith.constant 0 : i32
      %dma_wait3A_30 = tpu.memref_slice %arg5[%dma_wait3A_27, %dma_wait3A_28, %dma_wait3A_29] : memref<125000x8x32xf32, #tpu.memory_space<hbm>> -> memref<1x8x32xf32, #tpu.memory_space<hbm>>
      %dma_wait3A_31 = tpu.memref_squeeze %dma_wait3A_30 : memref<1x8x32xf32, #tpu.memory_space<hbm>> -> memref<8x32xf32, #tpu.memory_space<hbm>>
      %dma_wait3A_32 = arith.constant 0 : i32
      %dma_wait3A_33 = arith.constant 0 : i32
      %dma_wait3A_34 = tpu.memref_slice %arg5[%dma_wait3A_27, %dma_wait3A_32, %dma_wait3A_33] : memref<125000x8x32xf32, #tpu.memory_space<hbm>> -> memref<1x8x32xf32, #tpu.memory_space<hbm>>
      %dma_wait3A_35 = tpu.memref_squeeze %dma_wait3A_34 : memref<1x8x32xf32, #tpu.memory_space<hbm>> -> memref<8x32xf32, #tpu.memory_space<hbm>>
      tpu.wait_dma2 semaphore(%arg13 : memref<!tpu.dma_semaphore, #tpu.memory_space<semaphore_mem>>) src(%dma_wait3A_35 : memref<8x32xf32, #tpu.memory_space<hbm>>) dst(%arg11 : memref<256x32xf32, #tpu.memory_space<vmem>>)
      %add3A_36 = arith.addi %mul3A_2, %mul3A_13 : i32
      "tpu.region"() ({
        %run_scoped3A = tpu.sem_alloc : memref<!tpu.dma_semaphore, #tpu.memory_space<semaphore_mem>>
        %dma_start3A = arith.constant 0 : i32
        %dma_start3A_38 = tpu.memref_slice %arg6[%add3A_36, %dma_start3A] : memref<16384x32xf32, #tpu.memory_space<hbm>> -> memref<256x32xf32, #tpu.memory_space<hbm>>
        %dma_start3A_39 = arith.constant 0 : i32
        %dma_start3A_40 = tpu.memref_slice %arg6[%add3A_36, %dma_start3A_39] : memref<16384x32xf32, #tpu.memory_space<hbm>> -> memref<256x32xf32, #tpu.memory_space<hbm>>
        tpu.enqueue_dma source(%arg10 : memref<256x32xf32, #tpu.memory_space<vmem>>) target(%dma_start3A_40 : memref<256x32xf32, #tpu.memory_space<hbm>>) target_semaphore(%run_scoped3A : memref<!tpu.dma_semaphore, #tpu.memory_space<semaphore_mem>>)
        %dma_wait3A_41 = arith.constant 0 : i32
        %dma_wait3A_42 = tpu.memref_slice %arg6[%add3A_36, %dma_wait3A_41] : memref<16384x32xf32, #tpu.memory_space<hbm>> -> memref<256x32xf32, #tpu.memory_space<hbm>>
        %dma_wait3A_43 = arith.constant 0 : i32
        %dma_wait3A_44 = tpu.memref_slice %arg6[%add3A_36, %dma_wait3A_43] : memref<16384x32xf32, #tpu.memory_space<hbm>> -> memref<256x32xf32, #tpu.memory_space<hbm>>
        tpu.wait_dma2 semaphore(%run_scoped3A : memref<!tpu.dma_semaphore, #tpu.memory_space<semaphore_mem>>) src(%arg10 : memref<256x32xf32, #tpu.memory_space<vmem>>) dst(%dma_wait3A_44 : memref<256x32xf32, #tpu.memory_space<hbm>>)
        tpu.yield
      }) : () -> ()
      %add3A_37 = arith.addi %mul3A_2, %mul3A_13 : i32
      "tpu.region"() ({
        %run_scoped3A = tpu.sem_alloc : memref<!tpu.dma_semaphore, #tpu.memory_space<semaphore_mem>>
        %dma_start3A = arith.constant 0 : i32
        %dma_start3A_38 = tpu.memref_slice %arg7[%add3A_37, %dma_start3A] : memref<16384x32xf32, #tpu.memory_space<hbm>> -> memref<256x32xf32, #tpu.memory_space<hbm>>
        %dma_start3A_39 = arith.constant 0 : i32
        %dma_start3A_40 = tpu.memref_slice %arg7[%add3A_37, %dma_start3A_39] : memref<16384x32xf32, #tpu.memory_space<hbm>> -> memref<256x32xf32, #tpu.memory_space<hbm>>
        tpu.enqueue_dma source(%arg11 : memref<256x32xf32, #tpu.memory_space<vmem>>) target(%dma_start3A_40 : memref<256x32xf32, #tpu.memory_space<hbm>>) target_semaphore(%run_scoped3A : memref<!tpu.dma_semaphore, #tpu.memory_space<semaphore_mem>>)
        %dma_wait3A_41 = arith.constant 0 : i32
        %dma_wait3A_42 = tpu.memref_slice %arg7[%add3A_37, %dma_wait3A_41] : memref<16384x32xf32, #tpu.memory_space<hbm>> -> memref<256x32xf32, #tpu.memory_space<hbm>>
        %dma_wait3A_43 = arith.constant 0 : i32
        %dma_wait3A_44 = tpu.memref_slice %arg7[%add3A_37, %dma_wait3A_43] : memref<16384x32xf32, #tpu.memory_space<hbm>> -> memref<256x32xf32, #tpu.memory_space<hbm>>
        tpu.wait_dma2 semaphore(%run_scoped3A : memref<!tpu.dma_semaphore, #tpu.memory_space<semaphore_mem>>) src(%arg11 : memref<256x32xf32, #tpu.memory_space<vmem>>) dst(%dma_wait3A_44 : memref<256x32xf32, #tpu.memory_space<hbm>>)
        tpu.yield
      }) : () -> ()
    }
    %scan3A_6 = arith.constant 2 : i32
    return
  }
}

module attributes {stable_mosaic.version = 14 : i64} {
  func.func @_finish_body(%arg0: i32, %arg1: memref<1x1xf32, #tpu.memory_space<vmem>>, %arg2: memref<4096x32xf32, #tpu.memory_space<vmem>>, %arg3: memref<4096x32xf32, #tpu.memory_space<vmem>>, %arg4: memref<4096x1xf32, #tpu.memory_space<vmem>>, %arg5: memref<4096x1xf32, #tpu.memory_space<vmem>>, %arg6: memref<4096x1xf32, #tpu.memory_space<vmem>>) attributes {dimension_semantics = [#tpu.dimension_semantics<arbitrary>], iteration_bounds = array<i64: 4>, scalar_prefetch = 0 : i64, scratch_operands = 0 : i64, tpu.core_type = #tpu.core_type<tc>, window_params = [{pipeline_mode = #tpu.pipeline_mode<synchronous>, transform_indices = @transform_0, window_bounds = array<i64: 1, 1>}, {transform_indices = @transform_1, window_bounds = array<i64: 4096, 32>}, {transform_indices = @transform_2, window_bounds = array<i64: 4096, 32>}, {transform_indices = @transform_3, window_bounds = array<i64: 4096, 1>}, {transform_indices = @transform_4, window_bounds = array<i64: 4096, 1>}, {transform_indices = @transform_5, window_bounds = array<i64: 4096, 1>}]} {
    %get3A = arith.constant 0 : index
    %get3A_0 = arith.constant 0 : index
    %get3A_1 = vector.load %arg2[%get3A, %get3A_0] : memref<4096x32xf32, #tpu.memory_space<vmem>>, vector<4096x32xf32>
    %get3A_2 = arith.constant 0 : index
    %get3A_3 = arith.constant 0 : index
    %get3A_4 = vector.load %arg3[%get3A_2, %get3A_3] : memref<4096x32xf32, #tpu.memory_space<vmem>>, vector<4096x32xf32>
    %mul3A = arith.mulf %get3A_1, %get3A_4 : vector<4096x32xf32>
    %reduce_sum3A = arith.constant dense<0.000000e+00> : vector<4096xf32>
    %reduce_sum3A_5 = vector.multi_reduction <add>, %mul3A, %reduce_sum3A [1] : vector<4096x32xf32> to vector<4096xf32>
    %broadcast_in_dim3A = vector.shape_cast %reduce_sum3A_5 : vector<4096xf32> to vector<4096x1xf32>
    %get3A_6 = arith.constant 0 : index
    %get3A_7 = arith.constant 0 : index
    %get3A_8 = vector.load %arg4[%get3A_6, %get3A_7] : memref<4096x1xf32, #tpu.memory_space<vmem>>, vector<4096x1xf32>
    %add3A = arith.addf %broadcast_in_dim3A, %get3A_8 : vector<4096x1xf32>
    %get3A_9 = arith.constant 0 : index
    %get3A_10 = arith.constant 0 : index
    %get3A_11 = vector.load %arg5[%get3A_9, %get3A_10] : memref<4096x1xf32, #tpu.memory_space<vmem>>, vector<4096x1xf32>
    %add3A_12 = arith.addf %add3A, %get3A_11 : vector<4096x1xf32>
    %get3A_13 = arith.constant 0 : index
    %get3A_14 = arith.constant 0 : index
    %get3A_15 = vector.load %arg1[%get3A_13, %get3A_14] : memref<1x1xf32, #tpu.memory_space<vmem>>, vector<1x1xf32>
    %get3A_16 = vector.extract %get3A_15[0, 0] : f32 from vector<1x1xf32>
    %add3A_17 = vector.broadcast %get3A_16 : f32 to vector<4096x1xf32>
    %add3A_18 = arith.addf %add3A_12, %add3A_17 : vector<4096x1xf32>
    %swap3A = arith.constant 0 : index
    %swap3A_19 = arith.constant 0 : index
    %swap3A_20 = vector.load %arg6[%swap3A, %swap3A_19] : memref<4096x1xf32, #tpu.memory_space<vmem>>, vector<4096x1xf32>
    tpu.vector_store %arg6[%swap3A, %swap3A_19], %add3A_18 {strides = array<i32>} : memref<4096x1xf32, #tpu.memory_space<vmem>>, vector<4096x1xf32>,
    return
  }
  func.func @transform_0(%arg0: i32) -> (i32, i32) {
    %c0_i32 = arith.constant 0 : i32
    %c0_i32_0 = arith.constant 0 : i32
    %c0_i32_1 = arith.constant 0 : i32
    return %c0_i32, %c0_i32_0 : i32, i32
  }
  func.func @transform_1(%arg0: i32) -> (i32, i32) {
    %c0_i32 = arith.constant 0 : i32
    %c0_i32_0 = arith.constant 0 : i32
    return %arg0, %c0_i32 : i32, i32
  }
  func.func @transform_2(%arg0: i32) -> (i32, i32) {
    %c0_i32 = arith.constant 0 : i32
    %c0_i32_0 = arith.constant 0 : i32
    return %arg0, %c0_i32 : i32, i32
  }
  func.func @transform_3(%arg0: i32) -> (i32, i32) {
    %c0_i32 = arith.constant 0 : i32
    %c0_i32_0 = arith.constant 0 : i32
    return %arg0, %c0_i32 : i32, i32
  }
  func.func @transform_4(%arg0: i32) -> (i32, i32) {
    %c0_i32 = arith.constant 0 : i32
    %c0_i32_0 = arith.constant 0 : i32
    return %arg0, %c0_i32 : i32, i32
  }
  func.func @transform_5(%arg0: i32) -> (i32, i32) {
    %c0_i32 = arith.constant 0 : i32
    %c0_i32_0 = arith.constant 0 : i32
    return %arg0, %c0_i32 : i32, i32
  }
}

</mosaic_0001>

<sc_bundles>
// kernel: kernel.5.cloned.1.call-start
scs
__scs_entry_jumppad:
0x0: {  	(pc) =	sbr.rel $0x88, $3  }
0x1: {  	(tag) =	ssettag $0x0;
	lr =	simm.s32 $0x1  }
0x2: {  	[smem:$0x3F9A] =	sst lr;
	_ =	strace $0xD0000000  }
0x3: {  	_ = 	snop  }
0x4: {  	_ = 	snop  }
0x5: {  	_ = 	snop  }
0x6: {  	_ = 	snop  }
0x7: {  	_ = 	snop  }
__scs_overlays_trampoline_lowered:
0x8: {  	[smem:$0x3FA9] =	sst s0  }
0x9: {  	[smem:$0x3FAA] =	sst s1  }
0xa: {  	[smem:$0x3FAB] =	sst s2  }
0xb: {  	[smem:$0x3FAC] =	sst s3  }
0xc: {  	[smem:$0x3FAD] =	sst s4  }
0xd: {  	[smem:$0x3FAE] =	sst s5  }
0xe: {  	[smem:$0x3FAF] =	sst s6  }
0xf: {  	[smem:$0x3FB0] =	sst s7  }
0x10: {  	[smem:$0x3FB1] =	sst s8  }
0x11: {  	[smem:$0x3FB2] =	sst s9;
	s0 =	simm.s32 @!p0 $0x0  }
0x12: {  	s1 =	sld [smem:$0x3F98];
	s0 =	simm.s32 @p0 $0x1  }
0x13: {  	[smem:$0x3FB3] =	sst s0;
	s0 =	simm.s32 @!p1 $0x0  }
0x14: {  	s2 =	sld [smem:$0x3F97];
	s0 =	simm.s32 @p1 $0x1  }
0x15: {  	[smem:$0x3FB4] =	sst s0;
	s0 =	simm.s32 @!p2 $0x0  }
0x16: {  	s3 =	sld [smem:$0x3FDB];
	s0 =	simm.s32 @p2 $0x1  }
0x17: {  	s4 =	simm.s32 $0x1BF5;
	[smem:$0x3FB6] =	sst s0  }
0x18: {  	s0 =	sld [smem:$0x3F99];
	_ =	swait.ge [sflag:s4], $0x0  }
0x19: {  	s7 =	sld [smem:$0x3F9A]  }
0x1a: {  	s8 =	sadd.s32 $0xFFFFE003, lr  }
0x1b: {  	s9 =	sadd.s32 $0xFFFFFEF7, lr;
	s5 =	simm.s32 $0xFFFFFFFF;
	p2 =	slt.u32 s8, $0xFFFFF086  }
0x1c: {  	p1 =	slt.u32 s9, $0xF7A;
	s5 =	simm.s32 @!p2 $0x0  }
0x1d: {  	s5 =	simm.s32 @p1 $0x1;
	p0 =	seq.s32 s7, s2  }
0x1e: {  	s7 =	smul.u32 @!p0 $0xF7A, s2;
	p2 =	seq.s32 @!p0 s5, $0x0  }
0x1f: {  	s9 =	smul.u32 $0xF7A, s1;
	s8 =	simm.s32 @!p0 $0x1BF5;
	p2 =	por !p2, p0  }
0x20: {  	[sflag:s8] =	ssyncset.s32 @!p0 $0xFFFFF086;
	s6 =	sadd.s32 @!p0 s3, s7;
	s7 =	simm.s32 @!p0 $0x108  }
0x21: {  	s3 =	sadd.s32 s3, s9;
	s6 =	sadd.s32 @!p0 $0x88, s6;
	s7 =	simm.s32 @p2 $0x1082  }
0x22: {  	[simem:s7], [sflag:s8] =	dma.local @!p0 [hbm:s6], $0xF7A  }
0x23: {  	s9 =	sor.u32 $0xD0000000, s2;
	s6 =	simm.s32 $0x108;
	_ =	swait.ge @!p0 [sflag:s8], $0x0  }
0x24: {  	s3 =	sadd.s32 $0x88, s3;
	s6 =	simm.s32 @!p1 $0x1082;
	[sflag:s4] =	ssyncset.s32 $0xFFFFF086  }
0x25: {  	[simem:s6], [sflag:s4] =	dma.local [hbm:s3], $0xF7A  }
0x26: {  	[smem:$0x3F9A] =	sst s1;
	(tag) =	ssettag s2;
	_ =	strace s9  }
0x27: {  	s1 =	sld [smem:$0x3FAA]  }
0x28: {  	s2 =	sld [smem:$0x3FAB]  }
0x29: {  	s4 =	sld [smem:$0x3FAD]  }
0x2a: {  	p0 =	seq.s32 s5, $0x0;
	s5 =	sld [smem:$0x3FAE]  }
0x2b: {  	s6 =	sld [smem:$0x3FAF]  }
0x2c: {  	s7 =	sld [smem:$0x3FB0]  }
0x2d: {  	s3 =	simm.s32 $0x108;
	s8 =	sld [smem:$0x3FB1]  }
0x2e: {  	s3 =	simm.s32 @!p0 $0x1082;
	s9 =	sld [smem:$0x3FB2]  }
0x2f: {  	lr =	sadd.s32 s0, s3;
	s0 =	sld [smem:$0x3FA9]  }
0x30: {  	s3 =	sld [smem:$0x3FAC]  }
0x31: {  	[smem:$0x3FB5] =	sst s10  }
0x32: {  	s10 =	sld [smem:$0x3FB3];
	_ =	sdelay $0x3  }
0x33: {  	p0 =	seq.s32 s10, $0x1;
	s10 =	sld [smem:$0x3FB5];
	_ =	sdelay $0x3  }
0x34: {  	[smem:$0x3FB5] =	sst s10  }
0x35: {  	s10 =	sld [smem:$0x3FB4];
	_ =	sdelay $0x3  }
0x36: {  	p1 =	seq.s32 s10, $0x1;
	s10 =	sld [smem:$0x3FB5];
	_ =	sdelay $0x3  }
0x37: {  	[smem:$0x3FB5] =	sst s10  }
0x38: {  	s10 =	sld [smem:$0x3FB6]  }
0x39: {  	_ = 	snop;
	(pc) =	sbr.ind lr, $3  }
0x3a: {  	_ = 	snop  }
0x3b: {  	_ = 	snop  }
0x3c: {  	p2 =	seq.s32 s10, $0x1;
	s10 =	sld [smem:$0x3FB5]  }
0x3d: {  	_ =	shalt  }
0x3e: {  	_ =	shalt  }
0x3f: {  	_ =	shalt  }
0x40: {  	_ =	shalt  }
0x41: {  	_ =	shalt  }
0x42: {  	_ =	shalt  }
0x43: {  	_ =	shalt  }
0x44: {  	_ =	shalt  }
0x45: {  	_ =	shalt  }
0x46: {  	_ =	shalt  }
0x47: {  	_ =	shalt  }
0x48: {  	_ =	shalt  }
0x49: {  	_ =	shalt  }
0x4a: {  	_ =	shalt  }
0x4b: {  	_ =	shalt  }
0x4c: {  	_ =	shalt  }
0x4d: {  	_ =	shalt  }
0x4e: {  	_ =	shalt  }
0x4f: {  	_ =	shalt  }
0x50: {  	_ =	shalt  }
0x51: {  	_ =	shalt  }
0x52: {  	_ =	shalt  }
0x53: {  	_ =	shalt  }
0x54: {  	_ =	shalt  }
0x55: {  	_ =	shalt  }
0x56: {  	_ =	shalt  }
0x57: {  	_ =	shalt  }
0x58: {  	_ =	shalt  }
0x59: {  	_ =	shalt  }
0x5a: {  	_ =	shalt  }
0x5b: {  	_ =	shalt  }
0x5c: {  	_ =	shalt  }
0x5d: {  	_ =	shalt  }
0x5e: {  	_ =	shalt  }
0x5f: {  	_ =	shalt  }
0x60: {  	_ =	shalt  }
0x61: {  	_ =	shalt  }
0x62: {  	_ =	shalt  }
0x63: {  	_ =	shalt  }
0x64: {  	_ =	shalt  }
0x65: {  	_ =	shalt  }
0x66: {  	_ =	shalt  }
0x67: {  	_ =	shalt  }
0x68: {  	_ =	shalt  }
0x69: {  	_ =	shalt  }
0x6a: {  	_ =	shalt  }
0x6b: {  	_ =	shalt  }
0x6c: {  	_ =	shalt  }
0x6d: {  	_ =	shalt  }
0x6e: {  	_ =	shalt  }
0x6f: {  	_ =	shalt  }
0x70: {  	_ =	shalt  }
0x71: {  	_ =	shalt  }
0x72: {  	_ =	shalt  }
0x73: {  	_ =	shalt  }
0x74: {  	_ =	shalt  }
0x75: {  	_ =	shalt  }
0x76: {  	_ =	shalt  }
0x77: {  	_ =	shalt  }
0x78: {  	_ =	shalt  }
0x79: {  	_ =	shalt  }
0x7a: {  	_ =	shalt  }
0x7b: {  	_ =	shalt  }
0x7c: {  	_ =	shalt  }
0x7d: {  	_ =	shalt  }
0x7e: {  	_ =	shalt  }
0x7f: {  	_ =	shalt  }
0x80: {  	_ =	shalt  }
0x81: {  	_ =	shalt  }
0x82: {  	_ =	shalt  }
0x83: {  	_ =	shalt  }
0x84: {  	_ =	shalt  }
0x85: {  	_ =	shalt  }
0x86: {  	_ =	shalt  }
0x87: {  	_ =	shalt  }
.Lfunc_end0:
.L_simem_size_0:
called_computation_lowered:
.L_overlay_start_0:
0x88: {  	s2 =	sld [smem:$0x3FD9]  }
0x89: {  	s3 =	sld [smem:$0x3FFE];
	_ =	sdelay $0x1  }
0x8a: {  	s1 =	srdreg.scid  }
0x8b: {  	s0 =	sand.u32 $0x1, s1  }
0x8c: {  	s17 =	sshll.u32 s0, $0xA;
	s2 =	sadd.s32 s3, s2  }
0x8d: {  	s2 =	sadd.s32 s2, s17  }
0x8e: {  	[smem:$0x3FC1] =	sst s2  }
0x8f: {  	_ = 	snop  }
0x90: {  	s18 =	sld [smem:$0x3FC9]  }
0x91: {  	s4 =	sld [smem:$0x3FC8];
	(tm) =	ssettm $0x1  }
0x92: {  	s19 =	sld [smem:$0x3FFB];
	_ =	sdelay $0x3  }
0x93: {  	_ =	strace s19  }
0x94: {  	s2 =	sld [smem:$0x3FFC];
	_ =	sdelay $0x3  }
0x95: {  	_ =	strace s2  }
0x96: {  	s2 =	sld [smem:$0x3FFD];
	_ =	sdelay $0x3  }
0x97: {  	_ =	strace s2  }
0x98: {  	_ =	strace $0x8FFFFFFF  }
0x99: {  	s20 =	sld [smem:$0x3FDB];
	_ =	sdelay $0x1  }
0x9a: {  	s5 =	simm.s32 $_scs_section_size  }
0x9b: {  	s6 =	simm.s32 $_size__tile_overlayer_lowered;
	s7 =	simm.s32 $_tile_overlayer_lowered  }
0x9c: {  	s8 =	simm.s32 $0x1BFF;
	s21 =	sshll.u32 s7, $0x1;
	s5 =	sadd.s32 s5, s20  }
0x9d: {  	s22 =	simm.s32 $0x0;
	s6 =	sshll.u32 s6, $0x1;
	s7 =	sadd.s32 s21, s5  }
0x9e: {  	[timem:s22], [sflag:s8] =	dma.local [hbm:s7], s6  }
0x9f: {  	_ =	swait.ge [sflag:s8], s6  }
0xa0: {  	s6 =	ssub.s32 $0x0, s6;
	[sflag:s8] =	ssyncset.done $0x0  }
0xa1: {  	[sflag:s8] =	ssyncadd.s32 s6;
	_ =	sdelay $0x1  }
0xa2: {  	s23 =	simm.s32 $0x1B8B  }
0xa3: {  	_ =	swait.ge [sflag:s23], $0x1  }
0xa4: {  	[sflag:s23] =	ssyncset.done $0x0  }
0xa5: {  	[sflag:s23] =	ssyncadd.s32 $0xFFFFFFFF  }
0xa6: {  	s6 =	sld [smem:$0x0]  }
0xa7: {  	s7 =	sand.u32 $0xFFFFFFFE, s1  }
0xa8: {  	p0 =	sne.s32 s1, s7  }
0xa9: {  	s7 =	sshll.u32 @p0 s7, $0xE  }
0xaa: {  	s7 =	sadd.s32 @p0 $0x11B8D, s7;
	s8 =	sshll.u32 @p0 s6, $0x11  }
0xab: {  	s7 =	sor.u32 @p0 s8, s7  }
0xac: {  	[sflag:s7] =	ssyncadd.remote.s32 @p0 $0x1;
	_ =	sdelay $0x1  }
0xad: {  	s7 =	simm.s32 @p0 $0x1B8D  }
0xae: {  	_ =	swait.eq @p0 [sflag:s7], $0x1  }
0xaf: {  	[sflag:s7] =	ssyncadd.s32 @p0 $0xFFFFFFFF  }
0xb0: {  	s8 =	sshll.u32 @!p0 s1, $0xE  }
0xb1: {  	s8 =	sor.u32 @!p0 $0x4000, s8;
	s7 =	simm.s32 @!p0 $0x1B8D  }
0xb2: {  	s6 =	sshll.u32 @!p0 s6, $0x11;
	s8 =	sadd.s32 @!p0 $0x11B8D, s8;
	_ =	swait.eq @!p0 [sflag:s7], $0x1  }
0xb3: {  	s6 =	sor.u32 @!p0 s6, s8;
	[sflag:s7] =	ssyncadd.s32 @!p0 $0xFFFFFFFF  }
0xb4: {  	s25 =	simm.s32 $0x1B8E;
	s24 =	sld [smem:$0x3FFE];
	[sflag:s6] =	ssyncadd.remote.s32 @!p0 $0x1  }
0xb5: {  	s26 =	simm.s32 $execute0_lowered;
	[smem:$0x3FD2] =	sst s25  }
0xb6: {  	s7 =	sshll.u32 s26, $0x1;
	_ =	strace $0x80000049;
	[dreg:$0x1] =	wrdreg $0xFFFFFFFF  }
0xb7: {  	s28 =	simm.s32 $_size_execute0_lowered;
	s5 =	sadd.s32 s5, s7;
	[dreg:$0x0] =	wrdreg $0x0  }
0xb8: {  	s7 =	sshll.u32 s28, $0x1;
	[dreg:$0x2] =	wrdreg s5  }
0xb9: {  	[dreg:$0x3] =	wrdreg s7  }
0xba: {  	[dreg:$0x4] =	wrdreg $0xC0  }
0xbb: {  	_ =	task [dreg:s22], $0x5FFFF  }
0xbc: {  	[dreg:$0x1] =	wrdreg $0xFFFFFFFF  }
0xbd: {  	[dreg:$0x0] =	wrdreg $0x60  }
0xbe: {  	[dreg:$0x2] =	wrdreg s18  }
0xbf: {  	[dreg:$0x3] =	wrdreg s4  }
0xc0: {  	[dreg:$0x4] =	wrdreg s24  }
0xc1: {  	[dreg:$0x5] =	wrdreg $0x9  }
0xc2: {  	_ =	task.clear_ibuf [dreg:s22], $0x6FFFF;
	_ =	strace $0x90000049  }
0xc3: {  	s29 =	simm.s32 $0x9;
	_ =	strace $0x8000004B  }
0xc4: {  	_ =	swait.ge [sflag:s29], $0x1  }
0xc5: {  	[sflag:s29] =	ssyncadd.s32 $0xFFFFFFFF  }
0xc6: {  	_ =	strace $0x9000004B  }
0xc7: {  	_ =	sfence  }
0xc8: {  	s30 =	sld [smem:$0x0];
	_ =	sdelay $0x2  }
0xc9: {  	s31 =	sshll.u32 s1, $0xD;
	s1 =	sshrl.u32 s1, $0x2  }
0xca: {  	s4 =	sand.u32 $0x4000, s31;
	s1 =	sadd.s32 s1, s30  }
0xcb: {  	s0 =	sor.u32 s4, s0;
	s1 =	sshll.u32 s1, $0x11  }
0xcc: {  	s0 =	sor.u32 s1, s0  }
0xcd: {  	s0 =	sadd.s32 $0x8F2B, s0  }
0xce: {  	[sflag:s0] =	ssyncadd.remote.s32 $0x1  }
0xcf: {  	_ =	sfence.sel $0xFFFF  }
0xd0: {  	[dreg:$0x0] =	wrdreg $0xFFFFFFFF;
	(pc) =	sbr.abs _section_cstart, $3  }
0xd1: {  	[dreg:$0x1] =	wrdreg $0xFFFFFFFF  }
0xd2: {  	_ =	task.clear_ibuf [dreg:s22], $0x2FFFF;
	_ =	strace $0x9FFFFFFF  }
0xd3: {  	(tm) =	ssettm $0x7FFFFFFF  }
tec
execute0_lowered:
.L_overlay_start_1:
0x0: {  	(tag) =	ssettag $0x1  }
0x1: {  	s0 =	rddreg [dreg:$0x0]  }
0x2: {  	s1 =	rddreg [dreg:$0x1]  }
0x3: {  	s5 =	rddreg [dreg:$0x2];
	s2 =	simm.s32 $0x0;
	s3 =	srdreg.scid  }
0x4: {  	s4 =	stileid.u32;
	[smem:$0x7FF] =	sst s2;
	s6 =	sand.u32 $0x1, s3  }
0x5: {  	s3 =	sadd.s32 $0x1800, s5;
	s7 =	sshll.u32 s4, $0xA;
	s4 =	sadd.s32 $0xF43C00, s5  }
0x6: {  	s26 =	sadd.s32 $0x1E86000, s5;
	s5 =	sadd.s32 $0x1EC6000, s5;
	s8 =	sshll.u32 s6, $0x9  }
0x7: {  	_ =	strace $0x8000004A;
	[dreg:$0xe] =	wrdreg s26;
	s8 =	sor.u32 s8, s7  }
0x8: {  	s6 =	ssub.s32 $0x2, s6;
	[dreg:$0xd] =	wrdreg s8;
	s8 =	sshrl.u32 s8, $0x3  }
0x9: {  	[dreg:$0xf] =	wrdreg s5;
	s28 =	sshrl.u32 s6, $0x1;
	s0 =	sadd.s32 s0, s8  }
0xa: {  	s29 =	ssub.s32 s6, s28;
	s30 =	sadd.s32 s1, s8;
	[dreg:$0x10] =	wrdreg s0  }
0xb: {  	s31 =	smax.u32 s29, $0x1;
	[dreg:$0x11] =	wrdreg s30  }
0xc: {  	s1 =	simm.s32 $0x0;
	[dreg:$0x12] =	wrdreg s31  }
.LBB2_1:
0xd: {  	[dreg:$0x13] =	wrdreg s1  }
0xe: {  	s0 =	rddreg [dreg:$0x10];
	s30 =	simm.s32 $0x3  }
0xf: {  	[tilespmem:s2], [sflag:$0x3] =	stream.linear.gather [hbm4b:s0+s2], $0x200, $0x38;
	[tilespmem:$0x10400] =	vst v63  }
0x10: {  	_ =	swait.ge [sflag:s30], $0x200  }
0x11: {  	[sflag:s30] =	ssyncset.done $0x0  }
0x12: {  	s5 =	simm.s32 $0x200;
	s31 =	rddreg [dreg:$0x11];
	[sflag:s30] =	ssyncadd.s32 $0xFFFFFE00  }
0x13: {  	[tilespmem:s5], [sflag:$0x3] =	stream.linear.gather [hbm4b:s31+s2], $0x200, $0x38;
	[tilespmem:$0x10400] =	vst v63  }
0x14: {  	_ =	swait.ge [sflag:s30], $0x200  }
0x15: {  	[sflag:s30] =	ssyncset.done $0x0  }
0x16: {  	p1 =	por $0x1, $0x1;
	s0 =	simm.s32 $0x0;
	[sflag:s30] =	ssyncadd.s32 $0xFFFFFE00  }
.LBB2_2:
0x17: {  	s10 =	sshll.u32 s0, $0x2  }
0x18: {  	s13 =	sshra.s32 s10, $0x2  }
0x19: {  	[dreg:$0x14] =	wrdreg s0;
	s0 =	sadd.s32 $0x200, s13;
	v0 =	vld [tilespmem:s13+$0x0]  }
0x1a: {  	v2 =	vld [tilespmem:s0+$0x0];
	_ =	sdelay $0x3  }
0x1b: {  	v1 =	vshll.u32 v0, $0x4  }
0x1c: {  	v63 =	vshll.u32 v2, $0x4;
	(v2sf) =	vpush v1, $0x0  }
0x1d: {  	(v2sf) =	vpush v63, $0x0  }
0x1e: {  	(v2sf) =	vpush v1, $0x1;
	_ =	sdelay $0x1  }
0x1f: {  	(v2sf) =	vpush v63, $0x1;
	_ =	sdelay $0x2  }
0x20: {  	(v2sf) =	vpush v1, $0x2;
	_ =	sdelay $0x1  }
0x21: {  	(v2sf) =	vpush v63, $0x2;
	_ =	sdelay $0x1  }
0x22: {  	s20 =	simm.s32 $0x2000;
	s19 =	simm.s32 $0x0;
	(v2sf) =	vpush v1, $0x3  }
0x23: {  	s1 =	simm.s32 $0x8400;
	s7 =	simm.s32 $0x680;
	s6 =	simm.s32 $0x880  }
0x24: {  	s5 =	simm.s32 $0x400;
	s15 =	simm.s32 $0x480;
	s17 =	simm.s32 $0x8480;
	(v2sf) =	vpush v63, $0x3  }
0x25: {  	s22 =	simm.s32 $0x500;
	s25 =	simm.s32 $0x8500;
	s30 =	simm.s32 $0x580  }
0x26: {  	s29 =	simm.s32 $0xA00;
	s28 =	simm.s32 $0xB00;
	s9 =	spop (v2sf)  }
0x27: {  	p0 =	por p1, p1;
	s9 =	sand.u32 $0x1FFFFFF0, s9;
	s11 =	spop (v2sf)  }
0x28: {  	s10 =	simm.s32 $0x600;
	(v2sf) =	vpush v1, $0x4;
	s9 =	sadd.s32 s3, s9;
	s12 =	spop (v2sf)  }
0x29: {  	[tilespmem:s5], [sflag:$0x1] =	stream.linear.gather [hbm4b:s9+s2], $0x80, $0x38;
	[tilespmem:$0x10400] =	vst v63  }
0x2a: {  	s11 =	sand.u32 $0x1FFFFFF0, s11;
	(v2sf) =	vpush v63, $0x4;
	s5 =	simm.s32 $0x8900;
	s16 =	spop (v2sf)  }
0x2b: {  	s11 =	sadd.s32 s4, s11;
	s14 =	sand.u32 $0x1FFFFFF0, s12;
	(v2sf) =	vpush v1, $0x5;
	s9 =	sand.u32 $0x1FFFFFF0, s16  }
0x2c: {  	[tilespmem:s1], [sflag:$0x2] =	stream.linear.gather [hbm4b:s11+s2], $0x80, $0x38;
	[tilespmem:$0x10400] =	vst v63  }
0x2d: {  	(v2sf) =	vpush v63, $0x5;
	s18 =	spop (v2sf);
	s11 =	sadd.s32 s3, s14;
	s9 =	sadd.s32 s4, s9  }
0x2e: {  	[tilespmem:s15], [sflag:$0x1] =	stream.linear.gather [hbm4b:s11+s2], $0x80, $0x38;
	[tilespmem:$0x10400] =	vst v63  }
0x2f: {  	s21 =	spop (v2sf);
	(v2sf) =	vpush v1, $0x6;
	s14 =	simm.s32 $0x8580;
	s11 =	sand.u32 $0x1FFFFFF0, s18  }
0x30: {  	[tilespmem:s17], [sflag:$0x2] =	stream.linear.gather [hbm4b:s9+s2], $0x80, $0x38;
	[tilespmem:$0x10400] =	vst v63  }
0x31: {  	s24 =	sand.u32 $0x1FFFFFF0, s21;
	s26 =	spop (v2sf);
	(v2sf) =	vpush v63, $0x6;
	s23 =	sadd.s32 s3, s11  }
0x32: {  	[tilespmem:s22], [sflag:$0x1] =	stream.linear.gather [hbm4b:s23+s2], $0x80, $0x38;
	[tilespmem:$0x10400] =	vst v63  }
0x33: {  	(v2sf) =	vpush v1, $0x7;
	s31 =	spop (v2sf);
	s11 =	sadd.s32 s4, s24;
	s9 =	sand.u32 $0x1FFFFFF0, s26  }
0x34: {  	[tilespmem:s25], [sflag:$0x2] =	stream.linear.gather [hbm4b:s11+s2], $0x80, $0x38;
	[tilespmem:$0x10400] =	vst v63  }
0x35: {  	s21 =	simm.s32 $0x8600;
	s9 =	sadd.s32 s3, s9;
	s11 =	sand.u32 $0x1FFFFFF0, s31  }
0x36: {  	[tilespmem:s30], [sflag:$0x1] =	stream.linear.gather [hbm4b:s9+s2], $0x80, $0x38;
	[tilespmem:$0x10400] =	vst v63  }
0x37: {  	s26 =	simm.s32 $0x8680;
	s15 =	sadd.s32 s4, s11;
	s8 =	spop (v2sf);
	(v2sf) =	vpush v63, $0x7  }
0x38: {  	[tilespmem:s14], [sflag:$0x2] =	stream.linear.gather [hbm4b:s15+s2], $0x80, $0x38;
	[tilespmem:$0x10400] =	vst v63  }
0x39: {  	s31 =	simm.s32 $0x700;
	s16 =	sand.u32 $0x1FFFFFF0, s8;
	(v2sf) =	vpush v1, $0x8;
	s18 =	spop (v2sf)  }
0x3a: {  	s11 =	sadd.s32 s3, s16;
	(v2sf) =	vpush v63, $0x8;
	s9 =	sand.u32 $0x1FFFFFF0, s18;
	s22 =	spop (v2sf)  }
0x3b: {  	[tilespmem:s10], [sflag:$0x1] =	stream.linear.gather [hbm4b:s11+s2], $0x80, $0x38;
	[tilespmem:$0x10400] =	vst v63  }
0x3c: {  	s9 =	sadd.s32 s4, s9;
	s11 =	sand.u32 $0x1FFFFFF0, s22;
	s23 =	spop (v2sf);
	(v2sf) =	vpush v1, $0x9  }
0x3d: {  	[tilespmem:s21], [sflag:$0x2] =	stream.linear.gather [hbm4b:s9+s2], $0x80, $0x38;
	[tilespmem:$0x10400] =	vst v63  }
0x3e: {  	s24 =	sadd.s32 s3, s11;
	s25 =	sand.u32 $0x1FFFFFF0, s23;
	s30 =	spop (v2sf);
	(v2sf) =	vpush v63, $0x9  }
0x3f: {  	(v2sf) =	vpush v1, $0xA;
	[tilespmem:s7], [sflag:$0x1] =	stream.linear.gather [hbm4b:s24+s2], $0x80, $0x38;
	[tilespmem:$0x10400] =	vst v63  }
0x40: {  	s10 =	sadd.s32 s4, s25;
	s9 =	sand.u32 $0x1FFFFFF0, s30;
	s1 =	spop (v2sf)  }
0x41: {  	[tilespmem:s26], [sflag:$0x2] =	stream.linear.gather [hbm4b:s10+s2], $0x80, $0x38;
	[tilespmem:$0x10400] =	vst v63  }
0x42: {  	s9 =	sadd.s32 s3, s9;
	s8 =	spop (v2sf);
	s10 =	sand.u32 $0x1FFFFFF0, s1  }
0x43: {  	(v2sf) =	vpush v63, $0xA;
	[tilespmem:s31], [sflag:$0x1] =	stream.linear.gather [hbm4b:s9+s2], $0x80, $0x38;
	[tilespmem:$0x10400] =	vst v63  }
0x44: {  	s14 =	sand.u32 $0x1FFFFFF0, s8;
	s10 =	sadd.s32 s4, s10;
	s9 =	simm.s32 $0x8700  }
0x45: {  	[tilespmem:s9], [sflag:$0x2] =	stream.linear.gather [hbm4b:s10+s2], $0x80, $0x38;
	[tilespmem:$0x10400] =	vst v63  }
0x46: {  	s15 =	simm.s32 $0x780;
	s10 =	sadd.s32 s3, s14;
	s16 =	spop (v2sf)  }
0x47: {  	(v2sf) =	vpush v1, $0xB;
	[tilespmem:s15], [sflag:$0x1] =	stream.linear.gather [hbm4b:s10+s2], $0x80, $0x38;
	[tilespmem:$0x10400] =	vst v63  }
0x48: {  	s18 =	simm.s32 $0x8780;
	s9 =	sand.u32 $0x1FFFFFF0, s16;
	s21 =	spop (v2sf)  }
0x49: {  	(v2sf) =	vpush v63, $0xB;
	s9 =	sadd.s32 s4, s9;
	s10 =	sand.u32 $0x1FFFFFF0, s21;
	s22 =	spop (v2sf)  }
0x4a: {  	[tilespmem:s18], [sflag:$0x2] =	stream.linear.gather [hbm4b:s9+s2], $0x80, $0x38;
	[tilespmem:$0x10400] =	vst v63  }
0x4b: {  	s23 =	simm.s32 $0x800;
	s24 =	sadd.s32 s3, s10;
	s30 =	spop (v2sf)  }
0x4c: {  	[tilespmem:s23], [sflag:$0x1] =	stream.linear.gather [hbm4b:s24+s2], $0x80, $0x38;
	[tilespmem:$0x10400] =	vst v63  }
0x4d: {  	s26 =	simm.s32 $0x8800;
	s25 =	sand.u32 $0x1FFFFFF0, s22;
	s1 =	spop (v2sf)  }
0x4e: {  	(v2sf) =	vpush v1, $0xC;
	s10 =	sadd.s32 s4, s25;
	s9 =	sand.u32 $0x1FFFFFF0, s30;
	s8 =	spop (v2sf)  }
0x4f: {  	(v2sf) =	vpush v63, $0xC;
	[tilespmem:s26], [sflag:$0x2] =	stream.linear.gather [hbm4b:s10+s2], $0x80, $0x38;
	[tilespmem:$0x10400] =	vst v63  }
0x50: {  	s9 =	sadd.s32 s3, s9;
	s10 =	sand.u32 $0x1FFFFFF0, s1;
	s15 =	sand.u32 $0x1FFFFFF0, s8  }
0x51: {  	[tilespmem:s6], [sflag:$0x1] =	stream.linear.gather [hbm4b:s9+s2], $0x80, $0x38;
	[tilespmem:$0x10400] =	vst v63  }
0x52: {  	s18 =	spop (v2sf);
	s14 =	sadd.s32 s4, s10;
	s9 =	simm.s32 $0x8880  }
0x53: {  	[tilespmem:s9], [sflag:$0x2] =	stream.linear.gather [hbm4b:s14+s2], $0x80, $0x38;
	[tilespmem:$0x10400] =	vst v63  }
0x54: {  	s16 =	simm.s32 $0x900;
	s10 =	sadd.s32 s3, s15;
	s21 =	sand.u32 $0x1FFFFFF0, s18  }
0x55: {  	[tilespmem:s16], [sflag:$0x1] =	stream.linear.gather [hbm4b:s10+s2], $0x80, $0x38;
	[tilespmem:$0x10400] =	vst v63  }
0x56: {  	s12 =	simm.s32 $0xA80;
	s6 =	sadd.s32 s4, s21;
	s22 =	spop (v2sf)  }
0x57: {  	[tilespmem:s5], [sflag:$0x2] =	stream.linear.gather [hbm4b:s6+s2], $0x80, $0x38;
	[tilespmem:$0x10400] =	vst v63  }
0x58: {  	s17 =	simm.s32 $0x8A00;
	s1 =	sand.u32 $0x1FFFFFF0, s22;
	s23 =	spop (v2sf)  }
0x59: {  	s24 =	simm.s32 $0x980;
	(v2sf) =	vpush v1, $0xD;
	s25 =	sadd.s32 s3, s1;
	s26 =	sand.u32 $0x1FFFFFF0, s23  }
0x5a: {  	(v2sf) =	vpush v63, $0xD;
	[tilespmem:s24], [sflag:$0x1] =	stream.linear.gather [hbm4b:s25+s2], $0x80, $0x38;
	[tilespmem:$0x10400] =	vst v63  }
0x5b: {  	s31 =	simm.s32 $0x8980;
	s9 =	simm.s32 $0x8A80;
	(v2sf) =	vpush v1, $0xE;
	s30 =	sadd.s32 s4, s26  }
0x5c: {  	(v2sf) =	vpush v63, $0xE;
	[tilespmem:s31], [sflag:$0x2] =	stream.linear.gather [hbm4b:s30+s2], $0x80, $0x38;
	[tilespmem:$0x10400] =	vst v63  }
0x5d: {  	s23 =	sadd.s32 $0x10, s13;
	s24 =	sadd.s32 $0x10, s0;
	(v2sf) =	vpush v1, $0xF;
	s31 =	spop (v2sf)  }
0x5e: {  	s26 =	simm.s32 $0x8B00;
	(v2sf) =	vpush v63, $0xF;
	s0 =	sand.u32 $0x1FFFFFF0, s31;
	s5 =	spop (v2sf)  }
.LBB2_3:
0x5f: {  	_ =	sdelay $0x4  }
0x60: {  	s0 =	sadd.s32 s3, s0;
	s5 =	sand.u32 $0x1FFFFFF0, s5  }
0x61: {  	[tilespmem:s29], [sflag:$0x1] =	stream.linear.gather [hbm4b:s0+s2], $0x80, $0x38;
	[tilespmem:$0x10400] =	vst v63  }
0x62: {  	s15 =	sadd.s32 s4, s5  }
0x63: {  	[tilespmem:s17], [sflag:$0x2] =	stream.linear.gather [hbm4b:s15+s2], $0x80, $0x38;
	[tilespmem:$0x10400] =	vst v63  }
0x64: {  	s6 =	spop (v2sf)  }
0x65: {  	s16 =	sand.u32 $0x1FFFFFF0, s6;
	s18 =	spop (v2sf)  }
0x66: {  	s21 =	sadd.s32 s3, s16;
	s1 =	sand.u32 $0x1FFFFFF0, s18;
	s22 =	spop (v2sf)  }
0x67: {  	[tilespmem:s12], [sflag:$0x1] =	stream.linear.gather [hbm4b:s21+s2], $0x80, $0x38;
	[tilespmem:$0x10400] =	vst v63  }
0x68: {  	s25 =	sadd.s32 s4, s1;
	s30 =	sand.u32 $0x1FFFFFF0, s22;
	s31 =	spop (v2sf)  }
0x69: {  	[tilespmem:s9], [sflag:$0x2] =	stream.linear.gather [hbm4b:s25+s2], $0x80, $0x38;
	[tilespmem:$0x10400] =	vst v63  }
0x6a: {  	s1 =	sadd.s32 s3, s30;
	s5 =	sand.u32 $0x1FFFFFF0, s31;
	s6 =	spop (v2sf)  }
0x6b: {  	[tilespmem:s28], [sflag:$0x1] =	stream.linear.gather [hbm4b:s1+s2], $0x80, $0x38;
	[tilespmem:$0x10400] =	vst v63  }
0x6c: {  	s7 =	sadd.s32 s4, s5;
	s8 =	sand.u32 $0x1FFFFFF0, s6;
	s9 =	spop (v2sf)  }
0x6d: {  	[tilespmem:s26], [sflag:$0x2] =	stream.linear.gather [hbm4b:s7+s2], $0x80, $0x38;
	[tilespmem:$0x10400] =	vst v63  }
0x6e: {  	s10 =	sadd.s32 $0xB80, s19;
	s5 =	sand.u32 $0x1FFFFFF0, s9;
	s1 =	sadd.s32 s3, s8  }
0x6f: {  	[tilespmem:s10], [sflag:$0x1] =	stream.linear.gather [hbm4b:s1+s2], $0x80, $0x38;
	[tilespmem:$0x10400] =	vst v63  }
0x70: {  	s11 =	sadd.s32 $0x8B80, s19;
	s12 =	sadd.s32 s4, s5  }
0x71: {  	[tilespmem:s11], [sflag:$0x2] =	stream.linear.gather [hbm4b:s12+s2], $0x80, $0x38;
	[tilespmem:$0x10400] =	vst v63  }
0x72: {  	v0 =	vld [tilespmem:s23+$0x0];
	_ =	sdelay $0x1  }
0x73: {  	v2 =	vld [tilespmem:s24+$0x0];
	_ =	sdelay $0x2  }
0x74: {  	v1 =	vshll.u32 v0, $0x4  }
0x75: {  	(v2sf) =	vpush v1, $0x0  }
0x76: {  	s13 =	smov.u32 s20;
	v63 =	vshll.u32 v2, $0x4  }
0x77: {  	s19 =	sshra.s32 s13, $0x2;
	(v2sf) =	vpush v63, $0x0  }
0x78: {  	p1 =	sne.s32 s20, $0x1E000;
	s20 =	sadd.s32 $0x2000, s20;
	s0 =	sadd.s32 $0x680, s19;
	(v2sf) =	vpush v1, $0x1  }
0x79: {  	s14 =	sadd.s32 $0x880, s19;
	s13 =	sadd.s32 $0x600, s19;
	[dreg:$0xc] =	wrdreg s0  }
0x7a: {  	s29 =	sadd.s32 $0xA00, s19;
	[dreg:$0x6] =	wrdreg s14;
	s15 =	sadd.s32 $0x8900, s19;
	(v2sf) =	vpush v63, $0x1  }
0x7b: {  	s17 =	sadd.s32 $0x8A00, s19;
	s14 =	sadd.s32 $0x8600, s19;
	s0 =	sadd.s32 $0x8500, s19  }
0x7c: {  	[dreg:$0x4] =	wrdreg s15;
	s15 =	sadd.s32 $0x8780, s19;
	s16 =	sadd.s32 $0x8880, s19;
	(v2sf) =	vpush v1, $0x2  }
0x7d: {  	s18 =	sadd.s32 $0x580, s19;
	s21 =	sadd.s32 $0x500, s19;
	[dreg:$0x8] =	wrdreg s16  }
0x7e: {  	s22 =	sadd.s32 $0x900, s19;
	s16 =	sadd.s32 $0x780, s19;
	s31 =	sadd.s32 $0x8400, s19;
	(v2sf) =	vpush v63, $0x2  }
0x7f: {  	s30 =	sadd.s32 $0x8480, s19;
	[dreg:$0x7] =	wrdreg s22;
	s25 =	sadd.s32 $0x8800, s19  }
0x80: {  	s6 =	sadd.s32 $0x700, s19;
	s9 =	sadd.s32 $0x8A80, s19;
	[dreg:$0xa] =	wrdreg s25;
	(v2sf) =	vpush v1, $0x3  }
0x81: {  	s5 =	sadd.s32 $0xA80, s19;
	s8 =	sadd.s32 $0x8980, s19;
	s28 =	sadd.s32 $0xB00, s19  }
0x82: {  	[dreg:$0x5] =	wrdreg s8;
	s7 =	sadd.s32 $0x8680, s19;
	s26 =	sadd.s32 $0x800, s19;
	(v2sf) =	vpush v63, $0x3  }
0x83: {  	[dreg:$0xb] =	wrdreg s26;
	s26 =	sadd.s32 $0x8B00, s19;
	s1 =	sadd.s32 $0x400, s19;
	(v2sf) =	vpush v1, $0x4  }
0x84: {  	s10 =	sadd.s32 $0x8700, s19;
	s11 =	sadd.s32 $0x8580, s19;
	s22 =	spop (v2sf)  }
0x85: {  	s12 =	sadd.s32 $0x480, s19;
	s8 =	sand.u32 $0x1FFFFFF0, s22;
	s22 =	sadd.s32 $0x980, s19  }
0x86: {  	s23 =	sadd.s32 $0x10, s23;
	s25 =	spop (v2sf);
	[dreg:$0x9] =	wrdreg s22  }
0x87: {  	(v2sf) =	vpush v63, $0x4;
	s8 =	sadd.s32 s3, s8;
	s22 =	sand.u32 $0x1FFFFFF0, s25;
	s25 =	spop (v2sf)  }
0x88: {  	[tilespmem:s1], [sflag:$0x1] =	stream.linear.gather [hbm4b:s8+s2], $0x80, $0x38;
	[tilespmem:$0x10400] =	vst v63  }
0x89: {  	(v2sf) =	vpush v1, $0x5;
	s8 =	sadd.s32 s4, s22;
	s22 =	sand.u32 $0x1FFFFFF0, s25;
	s25 =	spop (v2sf)  }
0x8a: {  	[tilespmem:s31], [sflag:$0x2] =	stream.linear.gather [hbm4b:s8+s2], $0x80, $0x38;
	[tilespmem:$0x10400] =	vst v63  }
0x8b: {  	(v2sf) =	vpush v63, $0x5;
	s25 =	sand.u32 $0x1FFFFFF0, s25;
	s8 =	sadd.s32 s3, s22;
	s31 =	spop (v2sf)  }
0x8c: {  	[tilespmem:s12], [sflag:$0x1] =	stream.linear.gather [hbm4b:s8+s2], $0x80, $0x38;
	[tilespmem:$0x10400] =	vst v63  }
0x8d: {  	(v2sf) =	vpush v1, $0x6;
	s22 =	spop (v2sf);
	s8 =	sadd.s32 s4, s25;
	s12 =	sand.u32 $0x1FFFFFF0, s31  }
0x8e: {  	[tilespmem:s30], [sflag:$0x2] =	stream.linear.gather [hbm4b:s8+s2], $0x80, $0x38;
	[tilespmem:$0x10400] =	vst v63  }
0x8f: {  	s24 =	sadd.s32 $0x10, s24;
	(v2sf) =	vpush v63, $0x6;
	s31 =	spop (v2sf);
	s25 =	sadd.s32 s3, s12  }
0x90: {  	[tilespmem:s21], [sflag:$0x1] =	stream.linear.gather [hbm4b:s25+s2], $0x80, $0x38;
	[tilespmem:$0x10400] =	vst v63  }
0x91: {  	(v2sf) =	vpush v1, $0x7;
	s12 =	smov.u32 s5;
	s30 =	sand.u32 $0x1FFFFFF0, s22;
	s25 =	spop (v2sf)  }
0x92: {  	s22 =	sand.u32 $0x1FFFFFF0, s31;
	s21 =	sadd.s32 s4, s30;
	s5 =	spop (v2sf)  }
0x93: {  	(v2sf) =	vpush v63, $0x7;
	[tilespmem:s0], [sflag:$0x2] =	stream.linear.gather [hbm4b:s21+s2], $0x80, $0x38;
	[tilespmem:$0x10400] =	vst v63  }
0x94: {  	s30 =	sadd.s32 s3, s22;
	s31 =	sand.u32 $0x1FFFFFF0, s25;
	s21 =	sand.u32 $0x1FFFFFF0, s5  }
0x95: {  	(v2sf) =	vpush v1, $0x8;
	[tilespmem:s18], [sflag:$0x1] =	stream.linear.gather [hbm4b:s30+s2], $0x80, $0x38;
	[tilespmem:$0x10400] =	vst v63  }
0x96: {  	s25 =	sadd.s32 s3, s21;
	s18 =	sadd.s32 s4, s31;
	s22 =	spop (v2sf)  }
0x97: {  	(v2sf) =	vpush v63, $0x8;
	[tilespmem:s11], [sflag:$0x2] =	stream.linear.gather [hbm4b:s18+s2], $0x80, $0x38;
	[tilespmem:$0x10400] =	vst v63  }
0x98: {  	s30 =	sand.u32 $0x1FFFFFF0, s22;
	s31 =	spop (v2sf);
	s22 =	rddreg [dreg:$0xc]  }
0x99: {  	[tilespmem:s13], [sflag:$0x1] =	stream.linear.gather [hbm4b:s25+s2], $0x80, $0x38;
	[tilespmem:$0x10400] =	vst v63  }
0x9a: {  	(v2sf) =	vpush v1, $0x9;
	s5 =	sadd.s32 s4, s30;
	s11 =	sand.u32 $0x1FFFFFF0, s31;
	s13 =	spop (v2sf)  }
0x9b: {  	(v2sf) =	vpush v63, $0x9;
	[tilespmem:s14], [sflag:$0x2] =	stream.linear.gather [hbm4b:s5+s2], $0x80, $0x38;
	[tilespmem:$0x10400] =	vst v63  }
0x9c: {  	s18 =	sand.u32 $0x1FFFFFF0, s13;
	s21 =	spop (v2sf);
	s14 =	sadd.s32 s3, s11  }
0x9d: {  	[tilespmem:s22], [sflag:$0x1] =	stream.linear.gather [hbm4b:s14+s2], $0x80, $0x38;
	[tilespmem:$0x10400] =	vst v63  }
0x9e: {  	s25 =	sadd.s32 s4, s18;
	s30 =	sand.u32 $0x1FFFFFF0, s21;
	s31 =	spop (v2sf)  }
0x9f: {  	(v2sf) =	vpush v1, $0xA;
	[tilespmem:s7], [sflag:$0x2] =	stream.linear.gather [hbm4b:s25+s2], $0x80, $0x38;
	[tilespmem:$0x10400] =	vst v63  }
0xa0: {  	s5 =	sadd.s32 s3, s30;
	s8 =	spop (v2sf);
	s7 =	sand.u32 $0x1FFFFFF0, s31  }
0xa1: {  	(v2sf) =	vpush v63, $0xA;
	[tilespmem:s6], [sflag:$0x1] =	stream.linear.gather [hbm4b:s5+s2], $0x80, $0x38;
	[tilespmem:$0x10400] =	vst v63  }
0xa2: {  	s13 =	sand.u32 $0x1FFFFFF0, s8;
	s11 =	sadd.s32 s4, s7;
	s14 =	spop (v2sf)  }
0xa3: {  	[tilespmem:s10], [sflag:$0x2] =	stream.linear.gather [hbm4b:s11+s2], $0x80, $0x38;
	[tilespmem:$0x10400] =	vst v63  }
0xa4: {  	s18 =	sadd.s32 s3, s13;
	s21 =	sand.u32 $0x1FFFFFF0, s14;
	s22 =	spop (v2sf)  }
0xa5: {  	(v2sf) =	vpush v1, $0xB;
	[tilespmem:s16], [sflag:$0x1] =	stream.linear.gather [hbm4b:s18+s2], $0x80, $0x38;
	[tilespmem:$0x10400] =	vst v63  }
0xa6: {  	s25 =	sadd.s32 s4, s21;
	s30 =	sand.u32 $0x1FFFFFF0, s22;
	s31 =	spop (v2sf)  }
0xa7: {  	(v2sf) =	vpush v63, $0xB;
	s22 =	rddreg [dreg:$0x6];
	s6 =	sadd.s32 s3, s30;
	s7 =	sand.u32 $0x1FFFFFF0, s31  }
0xa8: {  	(v2sf) =	vpush v1, $0xC;
	[tilespmem:s15], [sflag:$0x2] =	stream.linear.gather [hbm4b:s25+s2], $0x80, $0x38;
	[tilespmem:$0x10400] =	vst v63  }
0xa9: {  	s10 =	rddreg [dreg:$0xb];
	s8 =	spop (v2sf);
	s11 =	sadd.s32 s4, s7  }
0xaa: {  	(v2sf) =	vpush v63, $0xC;
	s13 =	sand.u32 $0x1FFFFFF0, s8;
	s15 =	rddreg [dreg:$0xa];
	s14 =	spop (v2sf)  }
0xab: {  	[tilespmem:s10], [sflag:$0x1] =	stream.linear.gather [hbm4b:s6+s2], $0x80, $0x38;
	[tilespmem:$0x10400] =	vst v63  }
0xac: {  	s7 =	rddreg [dreg:$0x8];
	s16 =	sadd.s32 s3, s13;
	s18 =	sand.u32 $0x1FFFFFF0, s14  }
0xad: {  	[tilespmem:s15], [sflag:$0x2] =	stream.linear.gather [hbm4b:s11+s2], $0x80, $0x38;
	[tilespmem:$0x10400] =	vst v63  }
0xae: {  	s13 =	rddreg [dreg:$0x7];
	s21 =	spop (v2sf);
	s25 =	sadd.s32 s4, s18  }
0xaf: {  	[tilespmem:s22], [sflag:$0x1] =	stream.linear.gather [hbm4b:s16+s2], $0x80, $0x38;
	[tilespmem:$0x10400] =	vst v63  }
0xb0: {  	s30 =	sand.u32 $0x1FFFFFF0, s21;
	s31 =	spop (v2sf);
	s18 =	rddreg [dreg:$0x4]  }
0xb1: {  	[tilespmem:s7], [sflag:$0x2] =	stream.linear.gather [hbm4b:s25+s2], $0x80, $0x38;
	[tilespmem:$0x10400] =	vst v63  }
0xb2: {  	s8 =	sadd.s32 s3, s30;
	s10 =	sand.u32 $0x1FFFFFF0, s31;
	s30 =	rddreg [dreg:$0x9]  }
0xb3: {  	[tilespmem:s13], [sflag:$0x1] =	stream.linear.gather [hbm4b:s8+s2], $0x80, $0x38;
	[tilespmem:$0x10400] =	vst v63  }
0xb4: {  	s11 =	spop (v2sf);
	s31 =	rddreg [dreg:$0x5];
	s14 =	sadd.s32 s4, s10  }
0xb5: {  	(v2sf) =	vpush v1, $0xD;
	[tilespmem:s18], [sflag:$0x2] =	stream.linear.gather [hbm4b:s14+s2], $0x80, $0x38;
	[tilespmem:$0x10400] =	vst v63  }
.Ltmp0:
0xb6: {  	(v2sf) =	vpush v63, $0xD;
	s15 =	sand.u32 $0x1FFFFFF0, s11;
	s16 =	spop (v2sf);
	(pc) =	sbr.rel @p1 .LBB2_3-.Ltmp0, $4  }
0xb7: {  	(v2sf) =	vpush v1, $0xE;
	s21 =	sadd.s32 s3, s15;
	s22 =	sand.u32 $0x1FFFFFF0, s16;
	s25 =	spop (v2sf)  }
0xb8: {  	(v2sf) =	vpush v63, $0xE;
	[tilespmem:s30], [sflag:$0x1] =	stream.linear.gather [hbm4b:s21+s2], $0x80, $0x38;
	[tilespmem:$0x10400] =	vst v63  }
0xb9: {  	(v2sf) =	vpush v1, $0xF;
	s1 =	sadd.s32 s4, s22;
	s0 =	sand.u32 $0x1FFFFFF0, s25;
	s5 =	spop (v2sf)  }
0xba: {  	(v2sf) =	vpush v63, $0xF;
	[tilespmem:s31], [sflag:$0x2] =	stream.linear.gather [hbm4b:s1+s2], $0x80, $0x38;
	[tilespmem:$0x10400] =	vst v63  }
0xbb: {  	_ =	sdelay $0x4  }
0xbc: {  	s0 =	sadd.s32 s3, s0;
	s1 =	sand.u32 $0x1FFFFFF0, s5  }
0xbd: {  	[tilespmem:s29], [sflag:$0x1] =	stream.linear.gather [hbm4b:s0+s2], $0x80, $0x38;
	[tilespmem:$0x10400] =	vst v63  }
0xbe: {  	s29 =	sadd.s32 s4, s1  }
0xbf: {  	[tilespmem:s17], [sflag:$0x2] =	stream.linear.gather [hbm4b:s29+s2], $0x80, $0x38;
	[tilespmem:$0x10400] =	vst v63  }
0xc0: {  	s25 =	spop (v2sf)  }
0xc1: {  	s30 =	sand.u32 $0x1FFFFFF0, s25;
	s31 =	spop (v2sf)  }
0xc2: {  	s1 =	sadd.s32 s3, s30;
	s6 =	sand.u32 $0x1FFFFFF0, s31;
	s7 =	spop (v2sf)  }
0xc3: {  	[tilespmem:s12], [sflag:$0x1] =	stream.linear.gather [hbm4b:s1+s2], $0x80, $0x38;
	[tilespmem:$0x10400] =	vst v63  }
0xc4: {  	s8 =	sadd.s32 s4, s6;
	s10 =	sand.u32 $0x1FFFFFF0, s7;
	s11 =	spop (v2sf)  }
0xc5: {  	[tilespmem:s9], [sflag:$0x2] =	stream.linear.gather [hbm4b:s8+s2], $0x80, $0x38;
	[tilespmem:$0x10400] =	vst v63  }
0xc6: {  	s12 =	sadd.s32 s3, s10;
	s13 =	sand.u32 $0x1FFFFFF0, s11;
	s14 =	spop (v2sf)  }
0xc7: {  	[tilespmem:s28], [sflag:$0x1] =	stream.linear.gather [hbm4b:s12+s2], $0x80, $0x38;
	[tilespmem:$0x10400] =	vst v63  }
0xc8: {  	s15 =	sadd.s32 s4, s13;
	s16 =	sand.u32 $0x1FFFFFF0, s14;
	s17 =	spop (v2sf)  }
0xc9: {  	[tilespmem:s26], [sflag:$0x2] =	stream.linear.gather [hbm4b:s15+s2], $0x80, $0x38;
	[tilespmem:$0x10400] =	vst v63  }
0xca: {  	s18 =	sadd.s32 $0xB80, s19;
	s1 =	sadd.s32 s3, s16;
	s5 =	sand.u32 $0x1FFFFFF0, s17  }
0xcb: {  	[tilespmem:s18], [sflag:$0x1] =	stream.linear.gather [hbm4b:s1+s2], $0x80, $0x38;
	[tilespmem:$0x10400] =	vst v63  }
0xcc: {  	s20 =	sadd.s32 $0x8B80, s19;
	s22 =	simm.s32 $0x1;
	s21 =	sadd.s32 s4, s5  }
0xcd: {  	[tilespmem:s20], [sflag:$0x2] =	stream.linear.gather [hbm4b:s21+s2], $0x80, $0x38;
	[tilespmem:$0x10400] =	vst v63  }
0xce: {  	_ =	swait.ge [sflag:s22], $0x8000  }
0xcf: {  	[sflag:s22] =	ssyncset.done $0x0  }
0xd0: {  	s23 =	simm.s32 $0x2;
	[sflag:s22] =	ssyncadd.s32 $0xFFFF8000  }
0xd1: {  	_ =	swait.ge [sflag:s23], $0x8000  }
0xd2: {  	s24 =	rddreg [dreg:$0xd]  }
0xd3: {  	s25 =	rddreg [dreg:$0x14]  }
0xd4: {  	s29 =	simm.s32 $0x3;
	s0 =	sor.u32 s24, s25  }
0xd5: {  	[sflag:s23] =	ssyncset.done $0x0;
	s26 =	rddreg [dreg:$0xe];
	s0 =	sshll.u32 s0, $0x4  }
0xd6: {  	s28 =	simm.s32 $0x400;
	[sflag:s23] =	ssyncadd.s32 $0xFFFF8000;
	s1 =	sadd.s32 s26, s0  }
0xd7: {  	[hbm4b:s1+s2] =	stream.linear.scatter [tilespmem:s28], [sflag:$0x3], $0x8000, $0x38;
	[tilespmem:$0x10400] =	vst v63  }
0xd8: {  	_ =	swait.ge [sflag:s29], $0x8000  }
0xd9: {  	s31 =	simm.s32 $0x8400;
	[sflag:s29] =	ssyncset.done $0x0;
	s30 =	rddreg [dreg:$0xf]  }
.Ltmp1:
0xda: {  	[sflag:s29] =	ssyncadd.s32 $0xFFFF8000;
	s0 =	sadd.s32 s30, s0;
	(pc) =	sbr.rel @p0 .LBB2_2-.Ltmp1, $4  }
0xdb: {  	[hbm4b:s0+s2] =	stream.linear.scatter [tilespmem:s31], [sflag:$0x3], $0x8000, $0x38;
	[tilespmem:$0x10400] =	vst v63  }
0xdc: {  	_ =	swait.ge [sflag:s29], $0x8000  }
0xdd: {  	[sflag:s29] =	ssyncset.done $0x0  }
0xde: {  	p1 =	por $0x0, $0x0;
	s0 =	simm.s32 $0x100;
	[sflag:s29] =	ssyncadd.s32 $0xFFFF8000  }
0xdf: {  	s1 =	rddreg [dreg:$0x13]  }
0xe0: {  	s0 =	rddreg [dreg:$0x12];
	s1 =	sadd.s32 $0x1, s1  }
0xe1: {  	p0 =	sne.s32 s1, s0  }
.Ltmp2:
0xe2: {  	_ = 	snop;
	(pc) =	sbr.rel @p0 .LBB2_1-.Ltmp2, $1  }
0xe3: {  	_ =	sdelay $0x3  }
0xe4: {  	_ =	sfence.sel $0x180000  }
0xe5: {  	[bflag:$0x0] =	sbarrier.arrive $0xFFFF  }
0xe6: {  	_ =	strace $0x9000004A  }
0xe7: {  	s0 =	stileid.u32;
	[bflag:$0x2] =	sbarrier.arrive $0xFFFF  }
0xe8: {  	p0 =	sne.s32 s0, $0x0;
	s0 =	rddreg [dreg:$0x3]  }
0xe9: {  	s0 =	sadd.s32 @!p0 $0x100000, s0  }
0xea: {  	[sflag:s0] =	ssyncadd.tile.s32 @!p0 $0x1;
	_ =	shalt  }
.Lfunc_end2:
_tile_overlayer_lowered:
.L_overlay_start_2:
0xeb: {  	(tag) =	ssettag $0x2  }
0xec: {  	s0 =	rddreg [dreg:$0x0];
	s2 =	stileid.u32  }
0xed: {  	s1 =	rddreg [dreg:$0x1];
	p0 =	sne.s32 s2, $0x0  }
0xee: {  	s3 =	rddreg [dreg:$0x2];
	[bflag:$0x3] =	sbarrier.arrive $0xFFFF;
	s2 =	simm.s32 @!p0 $0x1C03  }
0xef: {  	[timem:s3], [sflag:s2] =	dma.local @!p0 [hbm:s0], s1  }
0xf0: {  	s0 =	simm.s32 @!p0 $0x3  }
0xf1: {  	_ =	swait.ge @!p0 [sflag:s0], s1  }
0xf2: {  	s1 =	ssub.s32 @!p0 $0x0, s1;
	[sflag:s0] =	ssyncset.done @!p0 $0x0  }
0xf3: {  	[sflag:s0] =	ssyncadd.s32 @!p0 s1  }
0xf4: {  	[bflag:$0x3] =	sbarrier.arrive $0xFFFF  }
0xf5: {  	_ =	shalt  }

// kernel: kernel.8.cloned.1.call-start
scs
__scs_entry_jumppad:
0x0: {  	(pc) =	sbr.rel $0x88, $3  }
0x1: {  	(tag) =	ssettag $0x0;
	lr =	simm.s32 $0x1  }
0x2: {  	[smem:$0x3F9A] =	sst lr;
	_ =	strace $0xD0000000  }
0x3: {  	_ = 	snop  }
0x4: {  	_ = 	snop  }
0x5: {  	_ = 	snop  }
0x6: {  	_ = 	snop  }
0x7: {  	_ = 	snop  }
__scs_overlays_trampoline_lowered:
0x8: {  	[smem:$0x3FA9] =	sst s0  }
0x9: {  	[smem:$0x3FAA] =	sst s1  }
0xa: {  	[smem:$0x3FAB] =	sst s2  }
0xb: {  	[smem:$0x3FAC] =	sst s3  }
0xc: {  	[smem:$0x3FAD] =	sst s4  }
0xd: {  	[smem:$0x3FAE] =	sst s5  }
0xe: {  	[smem:$0x3FAF] =	sst s6  }
0xf: {  	[smem:$0x3FB0] =	sst s7  }
0x10: {  	[smem:$0x3FB1] =	sst s8  }
0x11: {  	[smem:$0x3FB2] =	sst s9;
	s0 =	simm.s32 @!p0 $0x0  }
0x12: {  	s1 =	sld [smem:$0x3F98];
	s0 =	simm.s32 @p0 $0x1  }
0x13: {  	[smem:$0x3FB3] =	sst s0;
	s0 =	simm.s32 @!p1 $0x0  }
0x14: {  	s2 =	sld [smem:$0x3F97];
	s0 =	simm.s32 @p1 $0x1  }
0x15: {  	[smem:$0x3FB4] =	sst s0;
	s0 =	simm.s32 @!p2 $0x0  }
0x16: {  	s3 =	sld [smem:$0x3FDB];
	s0 =	simm.s32 @p2 $0x1  }
0x17: {  	s4 =	simm.s32 $0x1BF5;
	[smem:$0x3FB6] =	sst s0  }
0x18: {  	s0 =	sld [smem:$0x3F99];
	_ =	swait.ge [sflag:s4], $0x0  }
0x19: {  	s7 =	sld [smem:$0x3F9A]  }
0x1a: {  	s8 =	sadd.s32 $0xFFFFE003, lr  }
0x1b: {  	s9 =	sadd.s32 $0xFFFFFEF7, lr;
	s5 =	simm.s32 $0xFFFFFFFF;
	p2 =	slt.u32 s8, $0xFFFFF086  }
0x1c: {  	p1 =	slt.u32 s9, $0xF7A;
	s5 =	simm.s32 @!p2 $0x0  }
0x1d: {  	s5 =	simm.s32 @p1 $0x1;
	p0 =	seq.s32 s7, s2  }
0x1e: {  	s7 =	smul.u32 @!p0 $0xF7A, s2;
	p2 =	seq.s32 @!p0 s5, $0x0  }
0x1f: {  	s9 =	smul.u32 $0xF7A, s1;
	s8 =	simm.s32 @!p0 $0x1BF5;
	p2 =	por !p2, p0  }
0x20: {  	[sflag:s8] =	ssyncset.s32 @!p0 $0xFFFFF086;
	s6 =	sadd.s32 @!p0 s3, s7;
	s7 =	simm.s32 @!p0 $0x108  }
0x21: {  	s3 =	sadd.s32 s3, s9;
	s6 =	sadd.s32 @!p0 $0x88, s6;
	s7 =	simm.s32 @p2 $0x1082  }
0x22: {  	[simem:s7], [sflag:s8] =	dma.local @!p0 [hbm:s6], $0xF7A  }
0x23: {  	s9 =	sor.u32 $0xD0000000, s2;
	s6 =	simm.s32 $0x108;
	_ =	swait.ge @!p0 [sflag:s8], $0x0  }
0x24: {  	s3 =	sadd.s32 $0x88, s3;
	s6 =	simm.s32 @!p1 $0x1082;
	[sflag:s4] =	ssyncset.s32 $0xFFFFF086  }
0x25: {  	[simem:s6], [sflag:s4] =	dma.local [hbm:s3], $0xF7A  }
0x26: {  	[smem:$0x3F9A] =	sst s1;
	(tag) =	ssettag s2;
	_ =	strace s9  }
0x27: {  	s1 =	sld [smem:$0x3FAA]  }
0x28: {  	s2 =	sld [smem:$0x3FAB]  }
0x29: {  	s4 =	sld [smem:$0x3FAD]  }
0x2a: {  	p0 =	seq.s32 s5, $0x0;
	s5 =	sld [smem:$0x3FAE]  }
0x2b: {  	s6 =	sld [smem:$0x3FAF]  }
0x2c: {  	s7 =	sld [smem:$0x3FB0]  }
0x2d: {  	s3 =	simm.s32 $0x108;
	s8 =	sld [smem:$0x3FB1]  }
0x2e: {  	s3 =	simm.s32 @!p0 $0x1082;
	s9 =	sld [smem:$0x3FB2]  }
0x2f: {  	lr =	sadd.s32 s0, s3;
	s0 =	sld [smem:$0x3FA9]  }
0x30: {  	s3 =	sld [smem:$0x3FAC]  }
0x31: {  	[smem:$0x3FB5] =	sst s10  }
0x32: {  	s10 =	sld [smem:$0x3FB3];
	_ =	sdelay $0x3  }
0x33: {  	p0 =	seq.s32 s10, $0x1;
	s10 =	sld [smem:$0x3FB5];
	_ =	sdelay $0x3  }
0x34: {  	[smem:$0x3FB5] =	sst s10  }
0x35: {  	s10 =	sld [smem:$0x3FB4];
	_ =	sdelay $0x3  }
0x36: {  	p1 =	seq.s32 s10, $0x1;
	s10 =	sld [smem:$0x3FB5];
	_ =	sdelay $0x3  }
0x37: {  	[smem:$0x3FB5] =	sst s10  }
0x38: {  	s10 =	sld [smem:$0x3FB6]  }
0x39: {  	_ = 	snop;
	(pc) =	sbr.ind lr, $3  }
0x3a: {  	_ = 	snop  }
0x3b: {  	_ = 	snop  }
0x3c: {  	p2 =	seq.s32 s10, $0x1;
	s10 =	sld [smem:$0x3FB5]  }
0x3d: {  	_ =	shalt  }
0x3e: {  	_ =	shalt  }
0x3f: {  	_ =	shalt  }
0x40: {  	_ =	shalt  }
0x41: {  	_ =	shalt  }
0x42: {  	_ =	shalt  }
0x43: {  	_ =	shalt  }
0x44: {  	_ =	shalt  }
0x45: {  	_ =	shalt  }
0x46: {  	_ =	shalt  }
0x47: {  	_ =	shalt  }
0x48: {  	_ =	shalt  }
0x49: {  	_ =	shalt  }
0x4a: {  	_ =	shalt  }
0x4b: {  	_ =	shalt  }
0x4c: {  	_ =	shalt  }
0x4d: {  	_ =	shalt  }
0x4e: {  	_ =	shalt  }
0x4f: {  	_ =	shalt  }
0x50: {  	_ =	shalt  }
0x51: {  	_ =	shalt  }
0x52: {  	_ =	shalt  }
0x53: {  	_ =	shalt  }
0x54: {  	_ =	shalt  }
0x55: {  	_ =	shalt  }
0x56: {  	_ =	shalt  }
0x57: {  	_ =	shalt  }
0x58: {  	_ =	shalt  }
0x59: {  	_ =	shalt  }
0x5a: {  	_ =	shalt  }
0x5b: {  	_ =	shalt  }
0x5c: {  	_ =	shalt  }
0x5d: {  	_ =	shalt  }
0x5e: {  	_ =	shalt  }
0x5f: {  	_ =	shalt  }
0x60: {  	_ =	shalt  }
0x61: {  	_ =	shalt  }
0x62: {  	_ =	shalt  }
0x63: {  	_ =	shalt  }
0x64: {  	_ =	shalt  }
0x65: {  	_ =	shalt  }
0x66: {  	_ =	shalt  }
0x67: {  	_ =	shalt  }
0x68: {  	_ =	shalt  }
0x69: {  	_ =	shalt  }
0x6a: {  	_ =	shalt  }
0x6b: {  	_ =	shalt  }
0x6c: {  	_ =	shalt  }
0x6d: {  	_ =	shalt  }
0x6e: {  	_ =	shalt  }
0x6f: {  	_ =	shalt  }
0x70: {  	_ =	shalt  }
0x71: {  	_ =	shalt  }
0x72: {  	_ =	shalt  }
0x73: {  	_ =	shalt  }
0x74: {  	_ =	shalt  }
0x75: {  	_ =	shalt  }
0x76: {  	_ =	shalt  }
0x77: {  	_ =	shalt  }
0x78: {  	_ =	shalt  }
0x79: {  	_ =	shalt  }
0x7a: {  	_ =	shalt  }
0x7b: {  	_ =	shalt  }
0x7c: {  	_ =	shalt  }
0x7d: {  	_ =	shalt  }
0x7e: {  	_ =	shalt  }
0x7f: {  	_ =	shalt  }
0x80: {  	_ =	shalt  }
0x81: {  	_ =	shalt  }
0x82: {  	_ =	shalt  }
0x83: {  	_ =	shalt  }
0x84: {  	_ =	shalt  }
0x85: {  	_ =	shalt  }
0x86: {  	_ =	shalt  }
0x87: {  	_ =	shalt  }
.Lfunc_end0:
.L_simem_size_0:
called_computation.1_lowered:
.L_overlay_start_0:
0x88: {  	s2 =	sld [smem:$0x3FD9]  }
0x89: {  	s3 =	sld [smem:$0x3FFE];
	_ =	sdelay $0x1  }
0x8a: {  	s1 =	srdreg.scid  }
0x8b: {  	s0 =	sand.u32 $0x1, s1  }
0x8c: {  	s15 =	sshll.u32 s0, $0xA;
	s2 =	sadd.s32 s3, s2  }
0x8d: {  	s2 =	sadd.s32 s2, s15  }
0x8e: {  	[smem:$0x3FC1] =	sst s2  }
0x8f: {  	_ = 	snop  }
0x90: {  	s2 =	sld [smem:$0x3FC9]  }
0x91: {  	s16 =	sld [smem:$0x3FD0]  }
0x92: {  	s4 =	sld [smem:$0x3FC8]  }
0x93: {  	s5 =	sld [smem:$0x3FC4]  }
0x94: {  	s7 =	simm.s32 $0xB;
	s8 =	simm.s32 $0x10;
	s6 =	sld [smem:$0x3FC3]  }
0x95: {  	[smem:s8], [sflag:s7] =	dma.local [hbm:s16], $0x1  }
0x96: {  	_ =	swait.eq [sflag:s7], $0x1  }
0x97: {  	[sflag:s7] =	ssyncset.done $0x0  }
0x98: {  	s17 =	sld [smem:$0x10];
	[sflag:s7] =	ssyncadd.s32 $0xFFFFFFFF  }
0x99: {  	s18 =	sld [smem:$0x12];
	(tm) =	ssettm $0x1  }
0x9a: {  	s19 =	sld [smem:$0x3FFB];
	_ =	sdelay $0x3  }
0x9b: {  	_ =	strace s19  }
0x9c: {  	s8 =	sld [smem:$0x3FFC];
	_ =	sdelay $0x3  }
0x9d: {  	_ =	strace s8  }
0x9e: {  	s8 =	sld [smem:$0x3FFD];
	_ =	sdelay $0x3  }
0x9f: {  	_ =	strace s8  }
0xa0: {  	_ =	strace $0x8FFFFFFF  }
0xa1: {  	s20 =	sld [smem:$0x3FDB];
	_ =	sdelay $0x1  }
0xa2: {  	s9 =	simm.s32 $_scs_section_size  }
0xa3: {  	s10 =	simm.s32 $_size__tile_overlayer_lowered;
	s11 =	simm.s32 $_tile_overlayer_lowered  }
0xa4: {  	s23 =	simm.s32 $0x1BFF;
	s22 =	sshll.u32 s11, $0x1;
	s8 =	sadd.s32 s9, s20  }
0xa5: {  	s12 =	simm.s32 $0x0;
	s21 =	sshll.u32 s10, $0x1;
	s10 =	sadd.s32 s22, s8  }
0xa6: {  	[timem:s12], [sflag:s23] =	dma.local [hbm:s10], s21  }
0xa7: {  	_ =	swait.ge [sflag:s23], s21  }
0xa8: {  	s9 =	ssub.s32 $0x0, s21;
	[sflag:s23] =	ssyncset.done $0x0  }
0xa9: {  	[sflag:s23] =	ssyncadd.s32 s9;
	_ =	sdelay $0x1  }
0xaa: {  	s24 =	simm.s32 $0x1B8B  }
0xab: {  	_ =	swait.ge [sflag:s24], $0x1  }
0xac: {  	[sflag:s24] =	ssyncset.done $0x0  }
0xad: {  	s25 =	simm.s32 $0x1B8E;
	[sflag:s24] =	ssyncadd.s32 $0xFFFFFFFF  }
0xae: {  	s26 =	simm.s32 $execute0_lowered;
	[smem:$0x3FD2] =	sst s25  }
0xaf: {  	s9 =	sshll.u32 s26, $0x1;
	_ =	strace $0x80000046;
	[dreg:$0x1] =	wrdreg $0xFFFFFFFF  }
0xb0: {  	s28 =	simm.s32 $_size_execute0_lowered;
	s8 =	sadd.s32 s8, s9;
	[dreg:$0x0] =	wrdreg $0x0  }
0xb1: {  	s9 =	sshll.u32 s28, $0x1;
	[dreg:$0x2] =	wrdreg s8  }
0xb2: {  	[dreg:$0x3] =	wrdreg s9  }
0xb3: {  	[dreg:$0x4] =	wrdreg $0xC0  }
0xb4: {  	_ =	task [dreg:s12], $0x5FFFF  }
0xb5: {  	[dreg:$0x1] =	wrdreg $0xFFFFFFFF  }
0xb6: {  	[dreg:$0x0] =	wrdreg $0x60  }
0xb7: {  	[dreg:$0x2] =	wrdreg s2  }
0xb8: {  	[dreg:$0x3] =	wrdreg s4  }
0xb9: {  	[dreg:$0x4] =	wrdreg s5  }
0xba: {  	[dreg:$0x5] =	wrdreg s6  }
0xbb: {  	[dreg:$0x6] =	wrdreg s17  }
0xbc: {  	[dreg:$0x7] =	wrdreg s18  }
0xbd: {  	[dreg:$0x8] =	wrdreg $0xA  }
0xbe: {  	_ =	task.clear_ibuf [dreg:s12], $0x9FFFF;
	_ =	strace $0x90000046  }
0xbf: {  	s29 =	simm.s32 $0xA;
	_ =	strace $0x80000048  }
0xc0: {  	_ =	swait.ge [sflag:s29], $0x1  }
0xc1: {  	[sflag:s29] =	ssyncadd.s32 $0xFFFFFFFF  }
0xc2: {  	_ =	strace $0x90000048  }
0xc3: {  	_ =	sfence  }
0xc4: {  	s30 =	sld [smem:$0x0];
	_ =	sdelay $0x2  }
0xc5: {  	s31 =	sshll.u32 s1, $0xD;
	s1 =	sshrl.u32 s1, $0x2  }
0xc6: {  	s3 =	sand.u32 $0x4000, s31;
	s1 =	sadd.s32 s1, s30  }
0xc7: {  	s0 =	sor.u32 s3, s0;
	s1 =	sshll.u32 s1, $0x11  }
0xc8: {  	s0 =	sor.u32 s1, s0  }
0xc9: {  	s0 =	sadd.s32 $0x8F2B, s0  }
0xca: {  	[sflag:s0] =	ssyncadd.remote.s32 $0x1  }
0xcb: {  	_ =	sfence.sel $0xFFFF  }
0xcc: {  	[dreg:$0x0] =	wrdreg $0xFFFFFFFF;
	(pc) =	sbr.abs _section_cstart, $3  }
0xcd: {  	[dreg:$0x1] =	wrdreg $0xFFFFFFFF  }
0xce: {  	_ =	task.clear_ibuf [dreg:s12], $0x2FFFF;
	_ =	strace $0x9FFFFFFF  }
0xcf: {  	(tm) =	ssettm $0x7FFFFFFF  }
tec
execute0_lowered:
.L_overlay_start_1:
0x0: {  	(tag) =	ssettag $0x1  }
0x1: {  	s5 =	rddreg [dreg:$0x0]  }
0x2: {  	s7 =	rddreg [dreg:$0x1]  }
0x3: {  	s1 =	rddreg [dreg:$0x2]  }
0x4: {  	s3 =	rddreg [dreg:$0x3]  }
0x5: {  	s12 =	rddreg [dreg:$0x4]  }
0x6: {  	s13 =	rddreg [dreg:$0x5];
	s4 =	srdreg.scid  }
0x7: {  	s0 =	rddreg [dreg:$0x6];
	s2 =	stileid.u32;
	s14 =	sand.u32 $0x1, s4  }
0x8: {  	s4 =	simm.s32 $0x0;
	s6 =	sshll.u32 s2, $0x7;
	s8 =	sshll.u32 s14, $0x6  }
0x9: {  	[smem:$0x7FF] =	sst s4;
	s15 =	sor.u32 s8, s6  }
0xa: {  	_ =	strace $0x80000047;
	s6 =	sadd.s32 s5, s15;
	s5 =	simm.s32 $0x2  }
0xb: {  	[tilespmem:s4], [sflag:$0x2] =	stream.linear.gather [hbm4b:s6+s4], $0x200, $0x38;
	[tilespmem:$0x800] =	vst v63  }
0xc: {  	_ =	swait.ge [sflag:s5], $0x200  }
0xd: {  	[sflag:s5] =	ssyncset.done $0x0  }
0xe: {  	s8 =	simm.s32 $0x200;
	s7 =	sadd.s32 s7, s15;
	[sflag:s5] =	ssyncadd.s32 $0xFFFFFE00  }
0xf: {  	[tilespmem:s8], [sflag:$0x2] =	stream.linear.gather [hbm4b:s7+s4], $0x200, $0x38;
	[tilespmem:$0x800] =	vst v63  }
0x10: {  	_ =	swait.ge [sflag:s5], $0x200  }
0x11: {  	[sflag:s5] =	ssyncset.done $0x0  }
0x12: {  	s9 =	simm.s32 $0x400;
	[sflag:s5] =	ssyncadd.s32 $0xFFFFFE00  }
0x13: {  	[tilespmem:s9], [sflag:$0x1] =	stream.indirect.gather [hbm4b:s1+s8], $0x1, s4, s8, $0xb8;
	[tilespmem:$0x800] =	vst v63  }
0x14: {  	s10 =	simm.s32 $0x600;
	s11 =	simm.s32 $0x1  }
0x15: {  	[tilespmem:s10], [sflag:$0x1] =	stream.indirect.gather [hbm4b:s3+s8], $0x1, s8, s8, $0xb8;
	[tilespmem:$0x800] =	vst v63  }
0x16: {  	_ =	swait.ge [sflag:s11], $0x200  }
0x17: {  	[sflag:s11] =	ssyncset.done $0x0  }
0x18: {  	s14 =	ssub.s32 $0x2, s14;
	[sflag:s11] =	ssyncadd.s32 $0xFFFFFE00  }
0x19: {  	s16 =	sshrl.u32 s14, $0x1;
	_ =	swait.ge [sflag:s11], $0x200  }
0x1a: {  	s14 =	ssub.s32 s14, s16;
	[sflag:s11] =	ssyncset.done $0x0  }
0x1b: {  	s12 =	sadd.s32 s12, s15;
	s14 =	smax.u32 s14, $0x1;
	[sflag:s11] =	ssyncadd.s32 $0xFFFFFE00  }
0x1c: {  	[hbm4b:s12+s4] =	stream.linear.scatter [tilespmem:s9], [sflag:$0x2], $0x200, $0x38;
	[tilespmem:$0x800] =	vst v63  }
0x1d: {  	p0 =	sne.s32 s14, $0x1;
	_ =	swait.ge [sflag:s5], $0x200  }
.Ltmp0:
0x1e: {  	[sflag:s5] =	ssyncset.done $0x0;
	(pc) =	sbr.rel @!p0 .LBB2_2-.Ltmp0, $4  }
0x1f: {  	s13 =	sadd.s32 s13, s15;
	[sflag:s5] =	ssyncadd.s32 $0xFFFFFE00  }
0x20: {  	[hbm4b:s13+s4] =	stream.linear.scatter [tilespmem:s10], [sflag:$0x2], $0x200, $0x38;
	[tilespmem:$0x800] =	vst v63  }
0x21: {  	_ =	swait.ge [sflag:s5], $0x200  }
0x22: {  	s14 =	sadd.s32 $0xFFFFFFFF, s14;
	[sflag:s5] =	ssyncset.done $0x0  }
.LBB2_1:
0x23: {  	p0 =	sne.s32 s14, $0x1;
	s14 =	sadd.s32 $0xFFFFFFFF, s14;
	[sflag:s5] =	ssyncadd.s32 $0xFFFFFE00  }
0x24: {  	[tilespmem:s4], [sflag:$0x2] =	stream.linear.gather [hbm4b:s6+s4], $0x200, $0x38;
	[tilespmem:$0x800] =	vst v63  }
0x25: {  	_ =	swait.ge [sflag:s5], $0x200  }
0x26: {  	[sflag:s5] =	ssyncset.done $0x0  }
0x27: {  	[sflag:s5] =	ssyncadd.s32 $0xFFFFFE00  }
0x28: {  	[tilespmem:s8], [sflag:$0x2] =	stream.linear.gather [hbm4b:s7+s4], $0x200, $0x38;
	[tilespmem:$0x800] =	vst v63  }
0x29: {  	_ =	swait.ge [sflag:s5], $0x200  }
0x2a: {  	[sflag:s5] =	ssyncset.done $0x0  }
0x2b: {  	[sflag:s5] =	ssyncadd.s32 $0xFFFFFE00  }
0x2c: {  	[tilespmem:s9], [sflag:$0x1] =	stream.indirect.gather [hbm4b:s1+s8], $0x1, s4, s8, $0xb8;
	[tilespmem:$0x800] =	vst v63  }
0x2d: {  	_ = 	snop  }
0x2e: {  	[tilespmem:s10], [sflag:$0x1] =	stream.indirect.gather [hbm4b:s3+s8], $0x1, s8, s8, $0xb8;
	[tilespmem:$0x800] =	vst v63  }
0x2f: {  	_ =	swait.ge [sflag:s11], $0x200  }
0x30: {  	[sflag:s11] =	ssyncset.done $0x0  }
0x31: {  	[sflag:s11] =	ssyncadd.s32 $0xFFFFFE00  }
0x32: {  	_ =	swait.ge [sflag:s11], $0x200  }
0x33: {  	[sflag:s11] =	ssyncset.done $0x0  }
0x34: {  	[sflag:s11] =	ssyncadd.s32 $0xFFFFFE00  }
0x35: {  	[hbm4b:s12+s4] =	stream.linear.scatter [tilespmem:s9], [sflag:$0x2], $0x200, $0x38;
	[tilespmem:$0x800] =	vst v63  }
0x36: {  	_ =	swait.ge [sflag:s5], $0x200  }
.Ltmp1:
0x37: {  	[sflag:s5] =	ssyncset.done $0x0;
	(pc) =	sbr.rel @p0 .LBB2_1-.Ltmp1, $4  }
0x38: {  	[sflag:s5] =	ssyncadd.s32 $0xFFFFFE00  }
0x39: {  	[hbm4b:s13+s4] =	stream.linear.scatter [tilespmem:s10], [sflag:$0x2], $0x200, $0x38;
	[tilespmem:$0x800] =	vst v63  }
0x3a: {  	_ =	swait.ge [sflag:s5], $0x200  }
0x3b: {  	[sflag:s5] =	ssyncset.done $0x0  }
.LBB2_2:
0x3c: {  	[sflag:s5] =	ssyncadd.s32 $0xFFFFFE00  }
0x3d: {  	_ =	sfence.sel $0x180000  }
0x3e: {  	[bflag:$0x0] =	sbarrier.arrive $0xFFFF  }
0x3f: {  	p0 =	sne.s32 s2, $0x0;
	_ =	strace $0x90000047  }
0x40: {  	s0 =	sadd.s32 @!p0 $0x100000, s0;
	[bflag:$0x2] =	sbarrier.arrive $0xFFFF  }
0x41: {  	[sflag:s0] =	ssyncadd.tile.s32 @!p0 $0x1;
	_ =	shalt  }
.Lfunc_end2:
_tile_overlayer_lowered:
.L_overlay_start_2:
0x42: {  	(tag) =	ssettag $0x2  }
0x43: {  	s0 =	rddreg [dreg:$0x0];
	s2 =	stileid.u32  }
0x44: {  	s1 =	rddreg [dreg:$0x1];
	p0 =	sne.s32 s2, $0x0  }
0x45: {  	s3 =	rddreg [dreg:$0x2];
	[bflag:$0x3] =	sbarrier.arrive $0xFFFF;
	s2 =	simm.s32 @!p0 $0x1C02  }
0x46: {  	[timem:s3], [sflag:s2] =	dma.local @!p0 [hbm:s0], s1  }
0x47: {  	s0 =	simm.s32 @!p0 $0x2  }
0x48: {  	_ =	swait.ge @!p0 [sflag:s0], s1  }
0x49: {  	s1 =	ssub.s32 @!p0 $0x0, s1;
	[sflag:s0] =	ssyncset.done @!p0 $0x0  }
0x4a: {  	[sflag:s0] =	ssyncadd.s32 @!p0 s1  }
0x4b: {  	[bflag:$0x3] =	sbarrier.arrive $0xFFFF  }
0x4c: {  	_ =	shalt  }

</sc_bundles>
